<compile_context>
chip_gen: v7x
topology: tpu7x:2x2x1
jax: 0.10.2.dev20260603
libtpu: 0.0.44.dev20260713+nightly
codegen_flags: <defaults>
</compile_context>

<pallas_src>
import functools

import jax
import jax.numpy as jnp
from jax import lax
from jax.experimental import pallas as pl
from jax.experimental.pallas import tpu as pltpu
from jax.experimental.pallas import tpu_sc as plsc

N = 8192
D = 768
H = 128
E = 8
BN = 1024
NWORKERS = 32
CHUNK = N // NWORKERS
NEG_INF = float("-inf")


def _routing_body(logits_hbm, w_hbm, l_vmem, w_vmem):
    wid = lax.axis_index("s") * 2 + lax.axis_index("c")
    base = wid * CHUNK
    pltpu.sync_copy(logits_hbm.at[:, pl.ds(base, CHUNK)], l_vmem)

    @pl.loop(0, CHUNK, step=16)
    def _(g):
        lv = [l_vmem[e, pl.ds(g, 16)] for e in range(E)]
        m1 = lv[0]
        for e in range(1, E):
            m1 = jnp.maximum(m1, lv[e])
        i1 = jnp.full((16,), E, jnp.int32)
        for e in range(E - 1, -1, -1):
            i1 = jnp.where(lv[e] == m1, e, i1)
        m2 = jnp.full((16,), NEG_INF, jnp.float32)
        for e in range(E):
            m2 = jnp.maximum(m2, jnp.where(i1 == e, NEG_INF, lv[e]))
        i2 = jnp.full((16,), E, jnp.int32)
        for e in range(E - 1, -1, -1):
            i2 = jnp.where((lv[e] == m2) & (i1 != e), e, i2)
        e2 = jnp.exp(m2 - m1)
        denom = 1.0 + e2
        w1 = 1.0 / denom
        w2 = e2 / denom
        zero = jnp.zeros((16,), jnp.float32)
        for e in range(E):
            w_vmem[e, pl.ds(g, 16)] = jnp.where(
                i1 == e, w1, jnp.where(i2 == e, w2, zero))

    pltpu.sync_copy(w_vmem, w_hbm.at[:, pl.ds(base, CHUNK)])


def _routing_weights(logits_t):
    mesh = plsc.VectorSubcoreMesh(core_axis_name="c", subcore_axis_name="s")
    return pl.kernel(
        _routing_body,
        out_type=jax.ShapeDtypeStruct((E, N), jnp.float32),
        mesh=mesh,
        scratch_types=[
            pltpu.VMEM((E, CHUNK), jnp.float32),
            pltpu.VMEM((E, CHUNK), jnp.float32),
        ],
    )(logits_t)


def _moe_body(x_ref, wt_ref, we_ref, out_ref, we16_ref):
    @pl.when(pl.program_id(0) == 0)
    def _():
        we16_ref[...] = we_ref[...].astype(jnp.bfloat16)

    xb16 = x_ref[...].astype(jnp.bfloat16)
    w = wt_ref[...].T
    acc = None
    for e in range(E):
        y = lax.dot_general(
            xb16, we16_ref[pl.ds(e * D, D), :], (((1,), (0,)), ((), ())),
            preferred_element_type=jnp.float32,
        )
        term = w[:, e:e + 1] * y
        acc = term if acc is None else acc + term
    out_ref[...] = acc


@functools.partial(jax.jit, static_argnames=())
def kernel(x, Wg1, bg1, Wg2, bg2, We, be):
    wef = We.reshape(E * D, D)
    h = jax.nn.relu(x @ Wg1 + bg1)
    logits_t = lax.dot_general(
        Wg2, h, (((0,), (1,)), ((), ()))) + bg2[:, None]
    wt = _routing_weights(logits_t)
    grid = (N // BN,)
    return pl.pallas_call(
        _moe_body,
        grid=grid,
        in_specs=[
            pl.BlockSpec((BN, D), lambda i: (i, 0)),
            pl.BlockSpec((E, BN), lambda i: (0, i)),
            pl.BlockSpec((E * D, D), lambda i: (0, 0)),
        ],
        out_specs=pl.BlockSpec((BN, D), lambda i: (i, 0)),
        out_shape=jax.ShapeDtypeStruct((N, D), jnp.float32),
        scratch_shapes=[pltpu.VMEM((E * D, D), jnp.bfloat16)],
        compiler_params=pltpu.CompilerParams(
            dimension_semantics=("parallel",),
        ),
    )(x, wt, wef)

# --- scband reference (transcript-rebuilt; emitter-appended) ---
"""Pipeline reference for scband-moe-14877766713839 (READ-ONLY COPY).

The authoritative reference and input builder live on the scoring server;
editing this copy changes nothing except your own understanding.
"""

import jax, jax.numpy as jnp
import numpy as np

N = 8192
D = 768
H = 128
E = 8
TOPK = 2


def setup_inputs(seed: int = 0) -> dict:
    key = jax.random.key(seed)
    ks = jax.random.split(key, 6)
    x = jax.random.normal(ks[0], (N, D), dtype=jnp.float32)
    Wg1 = jax.random.normal(ks[1], (D, H), dtype=jnp.float32) * 0.02
    bg1 = jnp.zeros((H,), dtype=jnp.float32)
    Wg2 = jax.random.normal(ks[2], (H, E), dtype=jnp.float32) * 0.02
    bg2 = jnp.zeros((E,), dtype=jnp.float32)
    We = jax.random.normal(ks[3], (E, D, D), dtype=jnp.float32) * 0.02
    be = jnp.zeros((E, D), dtype=jnp.float32)
    return {"x": x, "Wg1": Wg1, "bg1": bg1, "Wg2": Wg2, "bg2": bg2, "We": We, "be": be}


def reference(x, Wg1, bg1, Wg2, bg2, We, be):
    # GatingNetwork: Linear(D,128) -> ReLU -> Dropout(eval: identity) -> Linear(128,E)
    h = jax.nn.relu(x @ Wg1 + bg1)
    logits = h @ Wg2 + bg2
    # top-k sparse gating: keep top-k logits, fill rest with -inf, softmax
    top_vals, top_idx = jax.lax.top_k(logits, TOPK)
    sparse = jnp.full(logits.shape, -jnp.inf, dtype=logits.dtype)
    rows = jnp.arange(logits.shape[0])[:, None]
    sparse = sparse.at[rows, top_idx].set(top_vals)
    weights = jax.nn.softmax(sparse, axis=-1)  # (N, E)
    # Dense MoE: run every expert MLP (single Linear D->D, no final activation) on all tokens
    expert_out = jnp.einsum('nd,edf->nef', x, We) + be[None, :, :]  # (N, E, D_out)
    # torch: outputs (N, D_out, E), weights (N, 1, E) broadcast, sum over expert dim
    out = jnp.einsum('nef,ne->nf', expert_out, weights)
    return out

if __name__ == "__main__":
    import jax
    _d = setup_inputs()
    print(jax.jit(kernel)(*tuple(_d.values())))

</pallas_src>

<mosaic_0001>
#map = affine_map<(d0, d1) -> (0, 0)>
module attributes {stable_mosaic.version = 14 : i64} {
  func.func @_routing_body(%arg0: i32, %arg1: i32, %arg2: memref<8x8192xf32, #tpu.memory_space<hbm>>, %arg3: memref<8x8192xf32, #tpu.memory_space<hbm>>, %arg4: memref<8x256xf32, #tpu.memory_space<vmem>>, %arg5: memref<8x256xf32, #tpu.memory_space<vmem>>) attributes {dimension_semantics = [#tpu.dimension_semantics<core_parallel>, #tpu.dimension_semantics<subcore_parallel>], iteration_bounds = array<i64: 2, 16>, scalar_prefetch = 0 : i64, scratch_operands = 2 : i64, tpu.core_type = #tpu.core_type<sc_vector_subcore>, window_params = [{transform_indices = #map}, {transform_indices = #map}]} {
    %mul3A = arith.constant 2 : i32
    %mul3A_0 = arith.muli %arg1, %mul3A : i32
    %add3A = arith.addi %mul3A_0, %arg0 : i32
    %mul3A_1 = arith.constant 256 : i32
    %mul3A_2 = arith.muli %add3A, %mul3A_1 : i32
    "tpu.region"() ({
      %run_scoped3A = tpu.sem_alloc : memref<!tpu.dma_semaphore, #tpu.memory_space<semaphore_mem>>
      %dma_start3A = arith.constant 0 : i32
      %dma_start3A_7 = tpu.memref_slice %arg2[%dma_start3A, %mul3A_2] : memref<8x8192xf32, #tpu.memory_space<hbm>> -> memref<8x256xf32, #tpu.memory_space<hbm>>
      %dma_start3A_8 = arith.constant 0 : i32
      %dma_start3A_9 = tpu.memref_slice %arg2[%dma_start3A_8, %mul3A_2] : memref<8x8192xf32, #tpu.memory_space<hbm>> -> memref<8x256xf32, #tpu.memory_space<hbm>>
      tpu.enqueue_dma source(%dma_start3A_9 : memref<8x256xf32, #tpu.memory_space<hbm>>) target(%arg4 : memref<8x256xf32, #tpu.memory_space<vmem>>) target_semaphore(%run_scoped3A : memref<!tpu.dma_semaphore, #tpu.memory_space<semaphore_mem>>)
      %dma_wait3A = arith.constant 0 : i32
      %dma_wait3A_10 = tpu.memref_slice %arg2[%dma_wait3A, %mul3A_2] : memref<8x8192xf32, #tpu.memory_space<hbm>> -> memref<8x256xf32, #tpu.memory_space<hbm>>
      %dma_wait3A_11 = arith.constant 0 : i32
      %dma_wait3A_12 = tpu.memref_slice %arg2[%dma_wait3A_11, %mul3A_2] : memref<8x8192xf32, #tpu.memory_space<hbm>> -> memref<8x256xf32, #tpu.memory_space<hbm>>
      tpu.wait_dma2 semaphore(%run_scoped3A : memref<!tpu.dma_semaphore, #tpu.memory_space<semaphore_mem>>) src(%dma_wait3A_12 : memref<8x256xf32, #tpu.memory_space<hbm>>) dst(%arg4 : memref<8x256xf32, #tpu.memory_space<vmem>>)
      tpu.yield
    }) : () -> ()
    %scan3A = arith.constant 0 : i32
    %scan3A_3 = arith.constant 16 : i32
    %scan3A_4 = arith.addi %scan3A, %scan3A_3 : i32
    %scan3A_5 = arith.constant 1 : i32
    scf.for %scan3A_7 = %scan3A to %scan3A_4 step %scan3A_5  : i32 {
      %mul3A_8 = arith.constant 16 : i32
      %mul3A_9 = arith.muli %scan3A_7, %mul3A_8 : i32
      %add3A_10 = arith.constant 0 : i32
      %add3A_11 = arith.addi %add3A_10, %mul3A_9 : i32
      %get3A = arith.constant 0 : i32
      %get3A_12 = arith.index_cast %get3A : i32 to index
      %get3A_13 = arith.index_cast %add3A_11 : i32 to index
      %get3A_14 = tpu.vector_load %arg4[%get3A_12, %get3A_13] {strides = array<i32>} : memref<8x256xf32, #tpu.memory_space<vmem>>, vector<1x16xf32>,
      %get3A_15 = vector.shape_cast %get3A_14 : vector<1x16xf32> to vector<16xf32>
      %get3A_16 = arith.constant 1 : i32
      %get3A_17 = arith.index_cast %get3A_16 : i32 to index
      %get3A_18 = arith.index_cast %add3A_11 : i32 to index
      %get3A_19 = tpu.vector_load %arg4[%get3A_17, %get3A_18] {strides = array<i32>} : memref<8x256xf32, #tpu.memory_space<vmem>>, vector<1x16xf32>,
      %get3A_20 = vector.shape_cast %get3A_19 : vector<1x16xf32> to vector<16xf32>
      %get3A_21 = arith.constant 2 : i32
      %get3A_22 = arith.index_cast %get3A_21 : i32 to index
      %get3A_23 = arith.index_cast %add3A_11 : i32 to index
      %get3A_24 = tpu.vector_load %arg4[%get3A_22, %get3A_23] {strides = array<i32>} : memref<8x256xf32, #tpu.memory_space<vmem>>, vector<1x16xf32>,
      %get3A_25 = vector.shape_cast %get3A_24 : vector<1x16xf32> to vector<16xf32>
      %get3A_26 = arith.constant 3 : i32
      %get3A_27 = arith.index_cast %get3A_26 : i32 to index
      %get3A_28 = arith.index_cast %add3A_11 : i32 to index
      %get3A_29 = tpu.vector_load %arg4[%get3A_27, %get3A_28] {strides = array<i32>} : memref<8x256xf32, #tpu.memory_space<vmem>>, vector<1x16xf32>,
      %get3A_30 = vector.shape_cast %get3A_29 : vector<1x16xf32> to vector<16xf32>
      %get3A_31 = arith.constant 4 : i32
      %get3A_32 = arith.index_cast %get3A_31 : i32 to index
      %get3A_33 = arith.index_cast %add3A_11 : i32 to index
      %get3A_34 = tpu.vector_load %arg4[%get3A_32, %get3A_33] {strides = array<i32>} : memref<8x256xf32, #tpu.memory_space<vmem>>, vector<1x16xf32>,
      %get3A_35 = vector.shape_cast %get3A_34 : vector<1x16xf32> to vector<16xf32>
      %get3A_36 = arith.constant 5 : i32
      %get3A_37 = arith.index_cast %get3A_36 : i32 to index
      %get3A_38 = arith.index_cast %add3A_11 : i32 to index
      %get3A_39 = tpu.vector_load %arg4[%get3A_37, %get3A_38] {strides = array<i32>} : memref<8x256xf32, #tpu.memory_space<vmem>>, vector<1x16xf32>,
      %get3A_40 = vector.shape_cast %get3A_39 : vector<1x16xf32> to vector<16xf32>
      %get3A_41 = arith.constant 6 : i32
      %get3A_42 = arith.index_cast %get3A_41 : i32 to index
      %get3A_43 = arith.index_cast %add3A_11 : i32 to index
      %get3A_44 = tpu.vector_load %arg4[%get3A_42, %get3A_43] {strides = array<i32>} : memref<8x256xf32, #tpu.memory_space<vmem>>, vector<1x16xf32>,
      %get3A_45 = vector.shape_cast %get3A_44 : vector<1x16xf32> to vector<16xf32>
      %get3A_46 = arith.constant 7 : i32
      %get3A_47 = arith.index_cast %get3A_46 : i32 to index
      %get3A_48 = arith.index_cast %add3A_11 : i32 to index
      %get3A_49 = tpu.vector_load %arg4[%get3A_47, %get3A_48] {strides = array<i32>} : memref<8x256xf32, #tpu.memory_space<vmem>>, vector<1x16xf32>,
      %get3A_50 = vector.shape_cast %get3A_49 : vector<1x16xf32> to vector<16xf32>
      %max3A = arith.maximumf %get3A_15, %get3A_20 : vector<16xf32>
      %max3A_51 = arith.maximumf %max3A, %get3A_25 : vector<16xf32>
      %max3A_52 = arith.maximumf %max3A_51, %get3A_30 : vector<16xf32>
      %max3A_53 = arith.maximumf %max3A_52, %get3A_35 : vector<16xf32>
      %max3A_54 = arith.maximumf %max3A_53, %get3A_40 : vector<16xf32>
      %max3A_55 = arith.maximumf %max3A_54, %get3A_45 : vector<16xf32>
      %max3A_56 = arith.maximumf %max3A_55, %get3A_50 : vector<16xf32>
      %broadcast_in_dim3A = arith.constant 8 : i32
      %broadcast_in_dim3A_57 = vector.broadcast %broadcast_in_dim3A : i32 to vector<16xi32>
      %eq3A = arith.cmpf oeq, %get3A_50, %max3A_56 : vector<16xf32>
      %jit3A = arith.constant 7 : i32
      %broadcast_in_dim3A_58 = vector.broadcast %jit3A : i32 to vector<16xi32>
      %select_n3A = arith.select %eq3A, %broadcast_in_dim3A_58, %broadcast_in_dim3A_57 : vector<16xi1>, vector<16xi32>
      %eq3A_59 = arith.cmpf oeq, %get3A_45, %max3A_56 : vector<16xf32>
      %jit3A_60 = arith.constant 6 : i32
      %broadcast_in_dim3A_61 = vector.broadcast %jit3A_60 : i32 to vector<16xi32>
      %select_n3A_62 = arith.select %eq3A_59, %broadcast_in_dim3A_61, %select_n3A : vector<16xi1>, vector<16xi32>
      %eq3A_63 = arith.cmpf oeq, %get3A_40, %max3A_56 : vector<16xf32>
      %jit3A_64 = arith.constant 5 : i32
      %broadcast_in_dim3A_65 = vector.broadcast %jit3A_64 : i32 to vector<16xi32>
      %select_n3A_66 = arith.select %eq3A_63, %broadcast_in_dim3A_65, %select_n3A_62 : vector<16xi1>, vector<16xi32>
      %eq3A_67 = arith.cmpf oeq, %get3A_35, %max3A_56 : vector<16xf32>
      %jit3A_68 = arith.constant 4 : i32
      %broadcast_in_dim3A_69 = vector.broadcast %jit3A_68 : i32 to vector<16xi32>
      %select_n3A_70 = arith.select %eq3A_67, %broadcast_in_dim3A_69, %select_n3A_66 : vector<16xi1>, vector<16xi32>
      %eq3A_71 = arith.cmpf oeq, %get3A_30, %max3A_56 : vector<16xf32>
      %jit3A_72 = arith.constant 3 : i32
      %broadcast_in_dim3A_73 = vector.broadcast %jit3A_72 : i32 to vector<16xi32>
      %select_n3A_74 = arith.select %eq3A_71, %broadcast_in_dim3A_73, %select_n3A_70 : vector<16xi1>, vector<16xi32>
      %eq3A_75 = arith.cmpf oeq, %get3A_25, %max3A_56 : vector<16xf32>
      %jit3A_76 = arith.constant 2 : i32
      %broadcast_in_dim3A_77 = vector.broadcast %jit3A_76 : i32 to vector<16xi32>
      %select_n3A_78 = arith.select %eq3A_75, %broadcast_in_dim3A_77, %select_n3A_74 : vector<16xi1>, vector<16xi32>
      %eq3A_79 = arith.cmpf oeq, %get3A_20, %max3A_56 : vector<16xf32>
      %jit3A_80 = arith.constant 1 : i32
      %broadcast_in_dim3A_81 = vector.broadcast %jit3A_80 : i32 to vector<16xi32>
      %select_n3A_82 = arith.select %eq3A_79, %broadcast_in_dim3A_81, %select_n3A_78 : vector<16xi1>, vector<16xi32>
      %eq3A_83 = arith.cmpf oeq, %get3A_15, %max3A_56 : vector<16xf32>
      %jit3A_84 = arith.constant 0 : i32
      %broadcast_in_dim3A_85 = vector.broadcast %jit3A_84 : i32 to vector<16xi32>
      %select_n3A_86 = arith.select %eq3A_83, %broadcast_in_dim3A_85, %select_n3A_82 : vector<16xi1>, vector<16xi32>
      %broadcast_in_dim3A_87 = arith.constant 0xFF800000 : f32
      %broadcast_in_dim3A_88 = vector.broadcast %broadcast_in_dim3A_87 : f32 to vector<16xf32>
      %eq3A_89 = arith.constant 0 : i32
      %eq3A_90 = vector.broadcast %eq3A_89 : i32 to vector<16xi32>
      %eq3A_91 = arith.cmpi eq, %select_n3A_86, %eq3A_90 : vector<16xi32>
      %jit3A_92 = arith.constant 0xFF800000 : f32
      %broadcast_in_dim3A_93 = vector.broadcast %jit3A_92 : f32 to vector<16xf32>
      %select_n3A_94 = arith.select %eq3A_91, %broadcast_in_dim3A_93, %get3A_15 : vector<16xi1>, vector<16xf32>
      %max3A_95 = arith.maximumf %broadcast_in_dim3A_88, %select_n3A_94 : vector<16xf32>
      %eq3A_96 = arith.constant 1 : i32
      %eq3A_97 = vector.broadcast %eq3A_96 : i32 to vector<16xi32>
      %eq3A_98 = arith.cmpi eq, %select_n3A_86, %eq3A_97 : vector<16xi32>
      %jit3A_99 = arith.constant 0xFF800000 : f32
      %broadcast_in_dim3A_100 = vector.broadcast %jit3A_99 : f32 to vector<16xf32>
      %select_n3A_101 = arith.select %eq3A_98, %broadcast_in_dim3A_100, %get3A_20 : vector<16xi1>, vector<16xf32>
      %max3A_102 = arith.maximumf %max3A_95, %select_n3A_101 : vector<16xf32>
      %eq3A_103 = arith.constant 2 : i32
      %eq3A_104 = vector.broadcast %eq3A_103 : i32 to vector<16xi32>
      %eq3A_105 = arith.cmpi eq, %select_n3A_86, %eq3A_104 : vector<16xi32>
      %jit3A_106 = arith.constant 0xFF800000 : f32
      %broadcast_in_dim3A_107 = vector.broadcast %jit3A_106 : f32 to vector<16xf32>
      %select_n3A_108 = arith.select %eq3A_105, %broadcast_in_dim3A_107, %get3A_25 : vector<16xi1>, vector<16xf32>
      %max3A_109 = arith.maximumf %max3A_102, %select_n3A_108 : vector<16xf32>
      %eq3A_110 = arith.constant 3 : i32
      %eq3A_111 = vector.broadcast %eq3A_110 : i32 to vector<16xi32>
      %eq3A_112 = arith.cmpi eq, %select_n3A_86, %eq3A_111 : vector<16xi32>
      %jit3A_113 = arith.constant 0xFF800000 : f32
      %broadcast_in_dim3A_114 = vector.broadcast %jit3A_113 : f32 to vector<16xf32>
      %select_n3A_115 = arith.select %eq3A_112, %broadcast_in_dim3A_114, %get3A_30 : vector<16xi1>, vector<16xf32>
      %max3A_116 = arith.maximumf %max3A_109, %select_n3A_115 : vector<16xf32>
      %eq3A_117 = arith.constant 4 : i32
      %eq3A_118 = vector.broadcast %eq3A_117 : i32 to vector<16xi32>
      %eq3A_119 = arith.cmpi eq, %select_n3A_86, %eq3A_118 : vector<16xi32>
      %jit3A_120 = arith.constant 0xFF800000 : f32
      %broadcast_in_dim3A_121 = vector.broadcast %jit3A_120 : f32 to vector<16xf32>
      %select_n3A_122 = arith.select %eq3A_119, %broadcast_in_dim3A_121, %get3A_35 : vector<16xi1>, vector<16xf32>
      %max3A_123 = arith.maximumf %max3A_116, %select_n3A_122 : vector<16xf32>
      %eq3A_124 = arith.constant 5 : i32
      %eq3A_125 = vector.broadcast %eq3A_124 : i32 to vector<16xi32>
      %eq3A_126 = arith.cmpi eq, %select_n3A_86, %eq3A_125 : vector<16xi32>
      %jit3A_127 = arith.constant 0xFF800000 : f32
      %broadcast_in_dim3A_128 = vector.broadcast %jit3A_127 : f32 to vector<16xf32>
      %select_n3A_129 = arith.select %eq3A_126, %broadcast_in_dim3A_128, %get3A_40 : vector<16xi1>, vector<16xf32>
      %max3A_130 = arith.maximumf %max3A_123, %select_n3A_129 : vector<16xf32>
      %eq3A_131 = arith.constant 6 : i32
      %eq3A_132 = vector.broadcast %eq3A_131 : i32 to vector<16xi32>
      %eq3A_133 = arith.cmpi eq, %select_n3A_86, %eq3A_132 : vector<16xi32>
      %jit3A_134 = arith.constant 0xFF800000 : f32
      %broadcast_in_dim3A_135 = vector.broadcast %jit3A_134 : f32 to vector<16xf32>
      %select_n3A_136 = arith.select %eq3A_133, %broadcast_in_dim3A_135, %get3A_45 : vector<16xi1>, vector<16xf32>
      %max3A_137 = arith.maximumf %max3A_130, %select_n3A_136 : vector<16xf32>
      %eq3A_138 = arith.constant 7 : i32
      %eq3A_139 = vector.broadcast %eq3A_138 : i32 to vector<16xi32>
      %eq3A_140 = arith.cmpi eq, %select_n3A_86, %eq3A_139 : vector<16xi32>
      %jit3A_141 = arith.constant 0xFF800000 : f32
      %broadcast_in_dim3A_142 = vector.broadcast %jit3A_141 : f32 to vector<16xf32>
      %select_n3A_143 = arith.select %eq3A_140, %broadcast_in_dim3A_142, %get3A_50 : vector<16xi1>, vector<16xf32>
      %max3A_144 = arith.maximumf %max3A_137, %select_n3A_143 : vector<16xf32>
      %broadcast_in_dim3A_145 = arith.constant 8 : i32
      %broadcast_in_dim3A_146 = vector.broadcast %broadcast_in_dim3A_145 : i32 to vector<16xi32>
      %eq3A_147 = arith.cmpf oeq, %get3A_50, %max3A_144 : vector<16xf32>
      %ne3A = arith.constant 7 : i32
      %ne3A_148 = vector.broadcast %ne3A : i32 to vector<16xi32>
      %ne3A_149 = arith.cmpi ne, %select_n3A_86, %ne3A_148 : vector<16xi32>
      %and3A = arith.andi %eq3A_147, %ne3A_149 : vector<16xi1>
      %jit3A_150 = arith.constant 7 : i32
      %broadcast_in_dim3A_151 = vector.broadcast %jit3A_150 : i32 to vector<16xi32>
      %select_n3A_152 = arith.select %and3A, %broadcast_in_dim3A_151, %broadcast_in_dim3A_146 : vector<16xi1>, vector<16xi32>
      %eq3A_153 = arith.cmpf oeq, %get3A_45, %max3A_144 : vector<16xf32>
      %ne3A_154 = arith.constant 6 : i32
      %ne3A_155 = vector.broadcast %ne3A_154 : i32 to vector<16xi32>
      %ne3A_156 = arith.cmpi ne, %select_n3A_86, %ne3A_155 : vector<16xi32>
      %and3A_157 = arith.andi %eq3A_153, %ne3A_156 : vector<16xi1>
      %jit3A_158 = arith.constant 6 : i32
      %broadcast_in_dim3A_159 = vector.broadcast %jit3A_158 : i32 to vector<16xi32>
      %select_n3A_160 = arith.select %and3A_157, %broadcast_in_dim3A_159, %select_n3A_152 : vector<16xi1>, vector<16xi32>
      %eq3A_161 = arith.cmpf oeq, %get3A_40, %max3A_144 : vector<16xf32>
      %ne3A_162 = arith.constant 5 : i32
      %ne3A_163 = vector.broadcast %ne3A_162 : i32 to vector<16xi32>
      %ne3A_164 = arith.cmpi ne, %select_n3A_86, %ne3A_163 : vector<16xi32>
      %and3A_165 = arith.andi %eq3A_161, %ne3A_164 : vector<16xi1>
      %jit3A_166 = arith.constant 5 : i32
      %broadcast_in_dim3A_167 = vector.broadcast %jit3A_166 : i32 to vector<16xi32>
      %select_n3A_168 = arith.select %and3A_165, %broadcast_in_dim3A_167, %select_n3A_160 : vector<16xi1>, vector<16xi32>
      %eq3A_169 = arith.cmpf oeq, %get3A_35, %max3A_144 : vector<16xf32>
      %ne3A_170 = arith.constant 4 : i32
      %ne3A_171 = vector.broadcast %ne3A_170 : i32 to vector<16xi32>
      %ne3A_172 = arith.cmpi ne, %select_n3A_86, %ne3A_171 : vector<16xi32>
      %and3A_173 = arith.andi %eq3A_169, %ne3A_172 : vector<16xi1>
      %jit3A_174 = arith.constant 4 : i32
      %broadcast_in_dim3A_175 = vector.broadcast %jit3A_174 : i32 to vector<16xi32>
      %select_n3A_176 = arith.select %and3A_173, %broadcast_in_dim3A_175, %select_n3A_168 : vector<16xi1>, vector<16xi32>
      %eq3A_177 = arith.cmpf oeq, %get3A_30, %max3A_144 : vector<16xf32>
      %ne3A_178 = arith.constant 3 : i32
      %ne3A_179 = vector.broadcast %ne3A_178 : i32 to vector<16xi32>
      %ne3A_180 = arith.cmpi ne, %select_n3A_86, %ne3A_179 : vector<16xi32>
      %and3A_181 = arith.andi %eq3A_177, %ne3A_180 : vector<16xi1>
      %jit3A_182 = arith.constant 3 : i32
      %broadcast_in_dim3A_183 = vector.broadcast %jit3A_182 : i32 to vector<16xi32>
      %select_n3A_184 = arith.select %and3A_181, %broadcast_in_dim3A_183, %select_n3A_176 : vector<16xi1>, vector<16xi32>
      %eq3A_185 = arith.cmpf oeq, %get3A_25, %max3A_144 : vector<16xf32>
      %ne3A_186 = arith.constant 2 : i32
      %ne3A_187 = vector.broadcast %ne3A_186 : i32 to vector<16xi32>
      %ne3A_188 = arith.cmpi ne, %select_n3A_86, %ne3A_187 : vector<16xi32>
      %and3A_189 = arith.andi %eq3A_185, %ne3A_188 : vector<16xi1>
      %jit3A_190 = arith.constant 2 : i32
      %broadcast_in_dim3A_191 = vector.broadcast %jit3A_190 : i32 to vector<16xi32>
      %select_n3A_192 = arith.select %and3A_189, %broadcast_in_dim3A_191, %select_n3A_184 : vector<16xi1>, vector<16xi32>
      %eq3A_193 = arith.cmpf oeq, %get3A_20, %max3A_144 : vector<16xf32>
      %ne3A_194 = arith.constant 1 : i32
      %ne3A_195 = vector.broadcast %ne3A_194 : i32 to vector<16xi32>
      %ne3A_196 = arith.cmpi ne, %select_n3A_86, %ne3A_195 : vector<16xi32>
      %and3A_197 = arith.andi %eq3A_193, %ne3A_196 : vector<16xi1>
      %jit3A_198 = arith.constant 1 : i32
      %broadcast_in_dim3A_199 = vector.broadcast %jit3A_198 : i32 to vector<16xi32>
      %select_n3A_200 = arith.select %and3A_197, %broadcast_in_dim3A_199, %select_n3A_192 : vector<16xi1>, vector<16xi32>
      %eq3A_201 = arith.cmpf oeq, %get3A_15, %max3A_144 : vector<16xf32>
      %ne3A_202 = arith.constant 0 : i32
      %ne3A_203 = vector.broadcast %ne3A_202 : i32 to vector<16xi32>
      %ne3A_204 = arith.cmpi ne, %select_n3A_86, %ne3A_203 : vector<16xi32>
      %and3A_205 = arith.andi %eq3A_201, %ne3A_204 : vector<16xi1>
      %jit3A_206 = arith.constant 0 : i32
      %broadcast_in_dim3A_207 = vector.broadcast %jit3A_206 : i32 to vector<16xi32>
      %select_n3A_208 = arith.select %and3A_205, %broadcast_in_dim3A_207, %select_n3A_200 : vector<16xi1>, vector<16xi32>
      %sub3A = arith.subf %max3A_144, %max3A_56 : vector<16xf32>
      %exp3A = math.exp %sub3A : vector<16xf32>
      %add3A_209 = arith.constant 1.000000e+00 : f32
      %add3A_210 = vector.broadcast %add3A_209 : f32 to vector<16xf32>
      %add3A_211 = arith.addf %add3A_210, %exp3A : vector<16xf32>
      %div3A = arith.constant 1.000000e+00 : f32
      %div3A_212 = vector.broadcast %div3A : f32 to vector<16xf32>
      %div3A_213 = arith.divf %div3A_212, %add3A_211 : vector<16xf32>
      %div3A_214 = arith.divf %exp3A, %add3A_211 : vector<16xf32>
      %broadcast_in_dim3A_215 = arith.constant 0.000000e+00 : f32
      %broadcast_in_dim3A_216 = vector.broadcast %broadcast_in_dim3A_215 : f32 to vector<16xf32>
      %eq3A_217 = arith.constant 0 : i32
      %eq3A_218 = vector.broadcast %eq3A_217 : i32 to vector<16xi32>
      %eq3A_219 = arith.cmpi eq, %select_n3A_86, %eq3A_218 : vector<16xi32>
      %eq3A_220 = arith.constant 0 : i32
      %eq3A_221 = vector.broadcast %eq3A_220 : i32 to vector<16xi32>
      %eq3A_222 = arith.cmpi eq, %select_n3A_208, %eq3A_221 : vector<16xi32>
      %select_n3A_223 = arith.select %eq3A_222, %div3A_214, %broadcast_in_dim3A_216 : vector<16xi1>, vector<16xf32>
      %select_n3A_224 = arith.select %eq3A_219, %div3A_213, %select_n3A_223 : vector<16xi1>, vector<16xf32>
      %swap3A = arith.constant 0 : i32
      %swap3A_225 = arith.index_cast %swap3A : i32 to index
      %swap3A_226 = arith.index_cast %add3A_11 : i32 to index
      %swap3A_227 = tpu.vector_load %arg5[%swap3A_225, %swap3A_226] {strides = array<i32>} : memref<8x256xf32, #tpu.memory_space<vmem>>, vector<1x16xf32>,
      %swap3A_228 = vector.shape_cast %swap3A_227 : vector<1x16xf32> to vector<16xf32>
      %swap3A_229 = vector.shape_cast %select_n3A_224 : vector<16xf32> to vector<1x16xf32>
      tpu.vector_store %arg5[%swap3A_225, %swap3A_226], %swap3A_229 {strides = array<i32>} : memref<8x256xf32, #tpu.memory_space<vmem>>, vector<1x16xf32>,
      %eq3A_230 = arith.constant 1 : i32
      %eq3A_231 = vector.broadcast %eq3A_230 : i32 to vector<16xi32>
      %eq3A_232 = arith.cmpi eq, %select_n3A_86, %eq3A_231 : vector<16xi32>
      %eq3A_233 = arith.constant 1 : i32
      %eq3A_234 = vector.broadcast %eq3A_233 : i32 to vector<16xi32>
      %eq3A_235 = arith.cmpi eq, %select_n3A_208, %eq3A_234 : vector<16xi32>
      %select_n3A_236 = arith.select %eq3A_235, %div3A_214, %broadcast_in_dim3A_216 : vector<16xi1>, vector<16xf32>
      %select_n3A_237 = arith.select %eq3A_232, %div3A_213, %select_n3A_236 : vector<16xi1>, vector<16xf32>
      %swap3A_238 = arith.constant 1 : i32
      %swap3A_239 = arith.index_cast %swap3A_238 : i32 to index
      %swap3A_240 = arith.index_cast %add3A_11 : i32 to index
      %swap3A_241 = tpu.vector_load %arg5[%swap3A_239, %swap3A_240] {strides = array<i32>} : memref<8x256xf32, #tpu.memory_space<vmem>>, vector<1x16xf32>,
      %swap3A_242 = vector.shape_cast %swap3A_241 : vector<1x16xf32> to vector<16xf32>
      %swap3A_243 = vector.shape_cast %select_n3A_237 : vector<16xf32> to vector<1x16xf32>
      tpu.vector_store %arg5[%swap3A_239, %swap3A_240], %swap3A_243 {strides = array<i32>} : memref<8x256xf32, #tpu.memory_space<vmem>>, vector<1x16xf32>,
      %eq3A_244 = arith.constant 2 : i32
      %eq3A_245 = vector.broadcast %eq3A_244 : i32 to vector<16xi32>
      %eq3A_246 = arith.cmpi eq, %select_n3A_86, %eq3A_245 : vector<16xi32>
      %eq3A_247 = arith.constant 2 : i32
      %eq3A_248 = vector.broadcast %eq3A_247 : i32 to vector<16xi32>
      %eq3A_249 = arith.cmpi eq, %select_n3A_208, %eq3A_248 : vector<16xi32>
      %select_n3A_250 = arith.select %eq3A_249, %div3A_214, %broadcast_in_dim3A_216 : vector<16xi1>, vector<16xf32>
      %select_n3A_251 = arith.select %eq3A_246, %div3A_213, %select_n3A_250 : vector<16xi1>, vector<16xf32>
      %swap3A_252 = arith.constant 2 : i32
      %swap3A_253 = arith.index_cast %swap3A_252 : i32 to index
      %swap3A_254 = arith.index_cast %add3A_11 : i32 to index
      %swap3A_255 = tpu.vector_load %arg5[%swap3A_253, %swap3A_254] {strides = array<i32>} : memref<8x256xf32, #tpu.memory_space<vmem>>, vector<1x16xf32>,
      %swap3A_256 = vector.shape_cast %swap3A_255 : vector<1x16xf32> to vector<16xf32>
      %swap3A_257 = vector.shape_cast %select_n3A_251 : vector<16xf32> to vector<1x16xf32>
      tpu.vector_store %arg5[%swap3A_253, %swap3A_254], %swap3A_257 {strides = array<i32>} : memref<8x256xf32, #tpu.memory_space<vmem>>, vector<1x16xf32>,
      %eq3A_258 = arith.constant 3 : i32
      %eq3A_259 = vector.broadcast %eq3A_258 : i32 to vector<16xi32>
      %eq3A_260 = arith.cmpi eq, %select_n3A_86, %eq3A_259 : vector<16xi32>
      %eq3A_261 = arith.constant 3 : i32
      %eq3A_262 = vector.broadcast %eq3A_261 : i32 to vector<16xi32>
      %eq3A_263 = arith.cmpi eq, %select_n3A_208, %eq3A_262 : vector<16xi32>
      %select_n3A_264 = arith.select %eq3A_263, %div3A_214, %broadcast_in_dim3A_216 : vector<16xi1>, vector<16xf32>
      %select_n3A_265 = arith.select %eq3A_260, %div3A_213, %select_n3A_264 : vector<16xi1>, vector<16xf32>
      %swap3A_266 = arith.constant 3 : i32
      %swap3A_267 = arith.index_cast %swap3A_266 : i32 to index
      %swap3A_268 = arith.index_cast %add3A_11 : i32 to index
      %swap3A_269 = tpu.vector_load %arg5[%swap3A_267, %swap3A_268] {strides = array<i32>} : memref<8x256xf32, #tpu.memory_space<vmem>>, vector<1x16xf32>,
      %swap3A_270 = vector.shape_cast %swap3A_269 : vector<1x16xf32> to vector<16xf32>
      %swap3A_271 = vector.shape_cast %select_n3A_265 : vector<16xf32> to vector<1x16xf32>
      tpu.vector_store %arg5[%swap3A_267, %swap3A_268], %swap3A_271 {strides = array<i32>} : memref<8x256xf32, #tpu.memory_space<vmem>>, vector<1x16xf32>,
      %eq3A_272 = arith.constant 4 : i32
      %eq3A_273 = vector.broadcast %eq3A_272 : i32 to vector<16xi32>
      %eq3A_274 = arith.cmpi eq, %select_n3A_86, %eq3A_273 : vector<16xi32>
      %eq3A_275 = arith.constant 4 : i32
      %eq3A_276 = vector.broadcast %eq3A_275 : i32 to vector<16xi32>
      %eq3A_277 = arith.cmpi eq, %select_n3A_208, %eq3A_276 : vector<16xi32>
      %select_n3A_278 = arith.select %eq3A_277, %div3A_214, %broadcast_in_dim3A_216 : vector<16xi1>, vector<16xf32>
      %select_n3A_279 = arith.select %eq3A_274, %div3A_213, %select_n3A_278 : vector<16xi1>, vector<16xf32>
      %swap3A_280 = arith.constant 4 : i32
      %swap3A_281 = arith.index_cast %swap3A_280 : i32 to index
      %swap3A_282 = arith.index_cast %add3A_11 : i32 to index
      %swap3A_283 = tpu.vector_load %arg5[%swap3A_281, %swap3A_282] {strides = array<i32>} : memref<8x256xf32, #tpu.memory_space<vmem>>, vector<1x16xf32>,
      %swap3A_284 = vector.shape_cast %swap3A_283 : vector<1x16xf32> to vector<16xf32>
      %swap3A_285 = vector.shape_cast %select_n3A_279 : vector<16xf32> to vector<1x16xf32>
      tpu.vector_store %arg5[%swap3A_281, %swap3A_282], %swap3A_285 {strides = array<i32>} : memref<8x256xf32, #tpu.memory_space<vmem>>, vector<1x16xf32>,
      %eq3A_286 = arith.constant 5 : i32
      %eq3A_287 = vector.broadcast %eq3A_286 : i32 to vector<16xi32>
      %eq3A_288 = arith.cmpi eq, %select_n3A_86, %eq3A_287 : vector<16xi32>
      %eq3A_289 = arith.constant 5 : i32
      %eq3A_290 = vector.broadcast %eq3A_289 : i32 to vector<16xi32>
      %eq3A_291 = arith.cmpi eq, %select_n3A_208, %eq3A_290 : vector<16xi32>
      %select_n3A_292 = arith.select %eq3A_291, %div3A_214, %broadcast_in_dim3A_216 : vector<16xi1>, vector<16xf32>
      %select_n3A_293 = arith.select %eq3A_288, %div3A_213, %select_n3A_292 : vector<16xi1>, vector<16xf32>
      %swap3A_294 = arith.constant 5 : i32
      %swap3A_295 = arith.index_cast %swap3A_294 : i32 to index
      %swap3A_296 = arith.index_cast %add3A_11 : i32 to index
      %swap3A_297 = tpu.vector_load %arg5[%swap3A_295, %swap3A_296] {strides = array<i32>} : memref<8x256xf32, #tpu.memory_space<vmem>>, vector<1x16xf32>,
      %swap3A_298 = vector.shape_cast %swap3A_297 : vector<1x16xf32> to vector<16xf32>
      %swap3A_299 = vector.shape_cast %select_n3A_293 : vector<16xf32> to vector<1x16xf32>
      tpu.vector_store %arg5[%swap3A_295, %swap3A_296], %swap3A_299 {strides = array<i32>} : memref<8x256xf32, #tpu.memory_space<vmem>>, vector<1x16xf32>,
      %eq3A_300 = arith.constant 6 : i32
      %eq3A_301 = vector.broadcast %eq3A_300 : i32 to vector<16xi32>
      %eq3A_302 = arith.cmpi eq, %select_n3A_86, %eq3A_301 : vector<16xi32>
      %eq3A_303 = arith.constant 6 : i32
      %eq3A_304 = vector.broadcast %eq3A_303 : i32 to vector<16xi32>
      %eq3A_305 = arith.cmpi eq, %select_n3A_208, %eq3A_304 : vector<16xi32>
      %select_n3A_306 = arith.select %eq3A_305, %div3A_214, %broadcast_in_dim3A_216 : vector<16xi1>, vector<16xf32>
      %select_n3A_307 = arith.select %eq3A_302, %div3A_213, %select_n3A_306 : vector<16xi1>, vector<16xf32>
      %swap3A_308 = arith.constant 6 : i32
      %swap3A_309 = arith.index_cast %swap3A_308 : i32 to index
      %swap3A_310 = arith.index_cast %add3A_11 : i32 to index
      %swap3A_311 = tpu.vector_load %arg5[%swap3A_309, %swap3A_310] {strides = array<i32>} : memref<8x256xf32, #tpu.memory_space<vmem>>, vector<1x16xf32>,
      %swap3A_312 = vector.shape_cast %swap3A_311 : vector<1x16xf32> to vector<16xf32>
      %swap3A_313 = vector.shape_cast %select_n3A_307 : vector<16xf32> to vector<1x16xf32>
      tpu.vector_store %arg5[%swap3A_309, %swap3A_310], %swap3A_313 {strides = array<i32>} : memref<8x256xf32, #tpu.memory_space<vmem>>, vector<1x16xf32>,
      %eq3A_314 = arith.constant 7 : i32
      %eq3A_315 = vector.broadcast %eq3A_314 : i32 to vector<16xi32>
      %eq3A_316 = arith.cmpi eq, %select_n3A_86, %eq3A_315 : vector<16xi32>
      %eq3A_317 = arith.constant 7 : i32
      %eq3A_318 = vector.broadcast %eq3A_317 : i32 to vector<16xi32>
      %eq3A_319 = arith.cmpi eq, %select_n3A_208, %eq3A_318 : vector<16xi32>
      %select_n3A_320 = arith.select %eq3A_319, %div3A_214, %broadcast_in_dim3A_216 : vector<16xi1>, vector<16xf32>
      %select_n3A_321 = arith.select %eq3A_316, %div3A_213, %select_n3A_320 : vector<16xi1>, vector<16xf32>
      %swap3A_322 = arith.constant 7 : i32
      %swap3A_323 = arith.index_cast %swap3A_322 : i32 to index
      %swap3A_324 = arith.index_cast %add3A_11 : i32 to index
      %swap3A_325 = tpu.vector_load %arg5[%swap3A_323, %swap3A_324] {strides = array<i32>} : memref<8x256xf32, #tpu.memory_space<vmem>>, vector<1x16xf32>,
      %swap3A_326 = vector.shape_cast %swap3A_325 : vector<1x16xf32> to vector<16xf32>
      %swap3A_327 = vector.shape_cast %select_n3A_321 : vector<16xf32> to vector<1x16xf32>
      tpu.vector_store %arg5[%swap3A_323, %swap3A_324], %swap3A_327 {strides = array<i32>} : memref<8x256xf32, #tpu.memory_space<vmem>>, vector<1x16xf32>,
    }
    %scan3A_6 = arith.constant 16 : i32
    "tpu.region"() ({
      %run_scoped3A = tpu.sem_alloc : memref<!tpu.dma_semaphore, #tpu.memory_space<semaphore_mem>>
      %dma_start3A = arith.constant 0 : i32
      %dma_start3A_7 = tpu.memref_slice %arg3[%dma_start3A, %mul3A_2] : memref<8x8192xf32, #tpu.memory_space<hbm>> -> memref<8x256xf32, #tpu.memory_space<hbm>>
      %dma_start3A_8 = arith.constant 0 : i32
      %dma_start3A_9 = tpu.memref_slice %arg3[%dma_start3A_8, %mul3A_2] : memref<8x8192xf32, #tpu.memory_space<hbm>> -> memref<8x256xf32, #tpu.memory_space<hbm>>
      tpu.enqueue_dma source(%arg5 : memref<8x256xf32, #tpu.memory_space<vmem>>) target(%dma_start3A_9 : memref<8x256xf32, #tpu.memory_space<hbm>>) target_semaphore(%run_scoped3A : memref<!tpu.dma_semaphore, #tpu.memory_space<semaphore_mem>>)
      %dma_wait3A = arith.constant 0 : i32
      %dma_wait3A_10 = tpu.memref_slice %arg3[%dma_wait3A, %mul3A_2] : memref<8x8192xf32, #tpu.memory_space<hbm>> -> memref<8x256xf32, #tpu.memory_space<hbm>>
      %dma_wait3A_11 = arith.constant 0 : i32
      %dma_wait3A_12 = tpu.memref_slice %arg3[%dma_wait3A_11, %mul3A_2] : memref<8x8192xf32, #tpu.memory_space<hbm>> -> memref<8x256xf32, #tpu.memory_space<hbm>>
      tpu.wait_dma2 semaphore(%run_scoped3A : memref<!tpu.dma_semaphore, #tpu.memory_space<semaphore_mem>>) src(%arg5 : memref<8x256xf32, #tpu.memory_space<vmem>>) dst(%dma_wait3A_12 : memref<8x256xf32, #tpu.memory_space<hbm>>)
      tpu.yield
    }) : () -> ()
    return
  }
}

module attributes {stable_mosaic.version = 14 : i64} {
  func.func @_moe_body(%arg0: i32, %arg1: memref<1024x768xf32, #tpu.memory_space<vmem>>, %arg2: memref<8x1024xf32, #tpu.memory_space<vmem>>, %arg3: memref<6144x768xf32, #tpu.memory_space<vmem>>, %arg4: memref<1024x768xf32, #tpu.memory_space<vmem>>, %arg5: memref<6144x768xbf16, #tpu.memory_space<vmem>>) attributes {dimension_semantics = [#tpu.dimension_semantics<parallel>], iteration_bounds = array<i64: 8>, scalar_prefetch = 0 : i64, scratch_operands = 1 : i64, tpu.core_type = #tpu.core_type<tc>, window_params = [{transform_indices = @transform_0, window_bounds = array<i64: 1024, 768>}, {transform_indices = @transform_1, window_bounds = array<i64: 8, 1024>}, {pipeline_mode = #tpu.pipeline_mode<synchronous>, transform_indices = @transform_2, window_bounds = array<i64: 6144, 768>}, {transform_indices = @transform_3, window_bounds = array<i64: 1024, 768>}]} {
    %eq3A = arith.constant 0 : i32
    %eq3A_0 = arith.cmpi eq, %arg0, %eq3A : i32
    %convert_element_type3A = arith.extui %eq3A_0 : i1 to i32
    %cond3A = arith.constant 0 : i32
    %cond3A_1 = arith.cmpi ne, %convert_element_type3A, %cond3A : i32
    scf.if %cond3A_1 {
      %get3A_77 = arith.constant 0 : index
      %get3A_78 = arith.constant 0 : index
      %get3A_79 = vector.load %arg3[%get3A_77, %get3A_78] : memref<6144x768xf32, #tpu.memory_space<vmem>>, vector<6144x768xf32>
      %convert_element_type3A_80 = arith.truncf %get3A_79 : vector<6144x768xf32> to vector<6144x768xbf16>
      %swap3A_81 = arith.constant 0 : index
      %swap3A_82 = arith.constant 0 : index
      %swap3A_83 = vector.load %arg5[%swap3A_81, %swap3A_82] : memref<6144x768xbf16, #tpu.memory_space<vmem>>, vector<6144x768xbf16>
      tpu.vector_store %arg5[%swap3A_81, %swap3A_82], %convert_element_type3A_80 {strides = array<i32>} : memref<6144x768xbf16, #tpu.memory_space<vmem>>, vector<6144x768xbf16>,
    } else {
    }
    %get3A = arith.constant 0 : index
    %get3A_2 = arith.constant 0 : index
    %get3A_3 = vector.load %arg1[%get3A, %get3A_2] : memref<1024x768xf32, #tpu.memory_space<vmem>>, vector<1024x768xf32>
    %convert_element_type3A_4 = arith.truncf %get3A_3 : vector<1024x768xf32> to vector<1024x768xbf16>
    %get3A_5 = arith.constant 0 : index
    %get3A_6 = arith.constant 0 : index
    %get3A_7 = vector.load %arg2[%get3A_5, %get3A_6] : memref<8x1024xf32, #tpu.memory_space<vmem>>, vector<8x1024xf32>
    %transpose3A = tpu.transpose %get3A_7, [1, 0] : vector<8x1024xf32> -> vector<1024x8xf32>
    %get3A_8 = arith.constant 0 : index
    %get3A_9 = arith.constant 0 : index
    %get3A_10 = vector.load %arg5[%get3A_8, %get3A_9] : memref<6144x768xbf16, #tpu.memory_space<vmem>>, vector<768x768xbf16>
    %dot_general3A = arith.constant dense<0.000000e+00> : vector<1024x768xf32>
    %dot_general3A_11 = tpu.matmul %convert_element_type3A_4, %get3A_10, %dot_general3A {dimension_numbers = #tpu.dot_dimension_numbers<[1], [0], [0], [1], [0, 0, 1, 1], [], []>, transpose_lhs_hint = false} : vector<1024x768xbf16>, vector<768x768xbf16>, vector<1024x768xf32> -> vector<1024x768xf32>
    %slice3A = vector.extract_strided_slice %transpose3A {offsets = [0, 0], sizes = [1024, 1], strides = [1, 1]} : vector<1024x8xf32> to vector<1024x1xf32>
    %mul3A = vector.broadcast %slice3A : vector<1024x1xf32> to vector<1024x768xf32>
    %mul3A_12 = arith.mulf %mul3A, %dot_general3A_11 : vector<1024x768xf32>
    %get3A_13 = arith.constant 768 : index
    %get3A_14 = arith.constant 0 : index
    %get3A_15 = vector.load %arg5[%get3A_13, %get3A_14] : memref<6144x768xbf16, #tpu.memory_space<vmem>>, vector<768x768xbf16>
    %dot_general3A_16 = arith.constant dense<0.000000e+00> : vector<1024x768xf32>
    %dot_general3A_17 = tpu.matmul %convert_element_type3A_4, %get3A_15, %dot_general3A_16 {dimension_numbers = #tpu.dot_dimension_numbers<[1], [0], [0], [1], [0, 0, 1, 1], [], []>, transpose_lhs_hint = false} : vector<1024x768xbf16>, vector<768x768xbf16>, vector<1024x768xf32> -> vector<1024x768xf32>
    %slice3A_18 = vector.extract_strided_slice %transpose3A {offsets = [0, 1], sizes = [1024, 1], strides = [1, 1]} : vector<1024x8xf32> to vector<1024x1xf32>
    %mul3A_19 = vector.broadcast %slice3A_18 : vector<1024x1xf32> to vector<1024x768xf32>
    %mul3A_20 = arith.mulf %mul3A_19, %dot_general3A_17 : vector<1024x768xf32>
    %add3A = arith.addf %mul3A_12, %mul3A_20 : vector<1024x768xf32>
    %get3A_21 = arith.constant 1536 : index
    %get3A_22 = arith.constant 0 : index
    %get3A_23 = vector.load %arg5[%get3A_21, %get3A_22] : memref<6144x768xbf16, #tpu.memory_space<vmem>>, vector<768x768xbf16>
    %dot_general3A_24 = arith.constant dense<0.000000e+00> : vector<1024x768xf32>
    %dot_general3A_25 = tpu.matmul %convert_element_type3A_4, %get3A_23, %dot_general3A_24 {dimension_numbers = #tpu.dot_dimension_numbers<[1], [0], [0], [1], [0, 0, 1, 1], [], []>, transpose_lhs_hint = false} : vector<1024x768xbf16>, vector<768x768xbf16>, vector<1024x768xf32> -> vector<1024x768xf32>
    %slice3A_26 = vector.extract_strided_slice %transpose3A {offsets = [0, 2], sizes = [1024, 1], strides = [1, 1]} : vector<1024x8xf32> to vector<1024x1xf32>
    %mul3A_27 = vector.broadcast %slice3A_26 : vector<1024x1xf32> to vector<1024x768xf32>
    %mul3A_28 = arith.mulf %mul3A_27, %dot_general3A_25 : vector<1024x768xf32>
    %add3A_29 = arith.addf %add3A, %mul3A_28 : vector<1024x768xf32>
    %get3A_30 = arith.constant 2304 : index
    %get3A_31 = arith.constant 0 : index
    %get3A_32 = vector.load %arg5[%get3A_30, %get3A_31] : memref<6144x768xbf16, #tpu.memory_space<vmem>>, vector<768x768xbf16>
    %dot_general3A_33 = arith.constant dense<0.000000e+00> : vector<1024x768xf32>
    %dot_general3A_34 = tpu.matmul %convert_element_type3A_4, %get3A_32, %dot_general3A_33 {dimension_numbers = #tpu.dot_dimension_numbers<[1], [0], [0], [1], [0, 0, 1, 1], [], []>, transpose_lhs_hint = false} : vector<1024x768xbf16>, vector<768x768xbf16>, vector<1024x768xf32> -> vector<1024x768xf32>
    %slice3A_35 = vector.extract_strided_slice %transpose3A {offsets = [0, 3], sizes = [1024, 1], strides = [1, 1]} : vector<1024x8xf32> to vector<1024x1xf32>
    %mul3A_36 = vector.broadcast %slice3A_35 : vector<1024x1xf32> to vector<1024x768xf32>
    %mul3A_37 = arith.mulf %mul3A_36, %dot_general3A_34 : vector<1024x768xf32>
    %add3A_38 = arith.addf %add3A_29, %mul3A_37 : vector<1024x768xf32>
    %get3A_39 = arith.constant 3072 : index
    %get3A_40 = arith.constant 0 : index
    %get3A_41 = vector.load %arg5[%get3A_39, %get3A_40] : memref<6144x768xbf16, #tpu.memory_space<vmem>>, vector<768x768xbf16>
    %dot_general3A_42 = arith.constant dense<0.000000e+00> : vector<1024x768xf32>
    %dot_general3A_43 = tpu.matmul %convert_element_type3A_4, %get3A_41, %dot_general3A_42 {dimension_numbers = #tpu.dot_dimension_numbers<[1], [0], [0], [1], [0, 0, 1, 1], [], []>, transpose_lhs_hint = false} : vector<1024x768xbf16>, vector<768x768xbf16>, vector<1024x768xf32> -> vector<1024x768xf32>
    %slice3A_44 = vector.extract_strided_slice %transpose3A {offsets = [0, 4], sizes = [1024, 1], strides = [1, 1]} : vector<1024x8xf32> to vector<1024x1xf32>
    %mul3A_45 = vector.broadcast %slice3A_44 : vector<1024x1xf32> to vector<1024x768xf32>
    %mul3A_46 = arith.mulf %mul3A_45, %dot_general3A_43 : vector<1024x768xf32>
    %add3A_47 = arith.addf %add3A_38, %mul3A_46 : vector<1024x768xf32>
    %get3A_48 = arith.constant 3840 : index
    %get3A_49 = arith.constant 0 : index
    %get3A_50 = vector.load %arg5[%get3A_48, %get3A_49] : memref<6144x768xbf16, #tpu.memory_space<vmem>>, vector<768x768xbf16>
    %dot_general3A_51 = arith.constant dense<0.000000e+00> : vector<1024x768xf32>
    %dot_general3A_52 = tpu.matmul %convert_element_type3A_4, %get3A_50, %dot_general3A_51 {dimension_numbers = #tpu.dot_dimension_numbers<[1], [0], [0], [1], [0, 0, 1, 1], [], []>, transpose_lhs_hint = false} : vector<1024x768xbf16>, vector<768x768xbf16>, vector<1024x768xf32> -> vector<1024x768xf32>
    %slice3A_53 = vector.extract_strided_slice %transpose3A {offsets = [0, 5], sizes = [1024, 1], strides = [1, 1]} : vector<1024x8xf32> to vector<1024x1xf32>
    %mul3A_54 = vector.broadcast %slice3A_53 : vector<1024x1xf32> to vector<1024x768xf32>
    %mul3A_55 = arith.mulf %mul3A_54, %dot_general3A_52 : vector<1024x768xf32>
    %add3A_56 = arith.addf %add3A_47, %mul3A_55 : vector<1024x768xf32>
    %get3A_57 = arith.constant 4608 : index
    %get3A_58 = arith.constant 0 : index
    %get3A_59 = vector.load %arg5[%get3A_57, %get3A_58] : memref<6144x768xbf16, #tpu.memory_space<vmem>>, vector<768x768xbf16>
    %dot_general3A_60 = arith.constant dense<0.000000e+00> : vector<1024x768xf32>
    %dot_general3A_61 = tpu.matmul %convert_element_type3A_4, %get3A_59, %dot_general3A_60 {dimension_numbers = #tpu.dot_dimension_numbers<[1], [0], [0], [1], [0, 0, 1, 1], [], []>, transpose_lhs_hint = false} : vector<1024x768xbf16>, vector<768x768xbf16>, vector<1024x768xf32> -> vector<1024x768xf32>
    %slice3A_62 = vector.extract_strided_slice %transpose3A {offsets = [0, 6], sizes = [1024, 1], strides = [1, 1]} : vector<1024x8xf32> to vector<1024x1xf32>
    %mul3A_63 = vector.broadcast %slice3A_62 : vector<1024x1xf32> to vector<1024x768xf32>
    %mul3A_64 = arith.mulf %mul3A_63, %dot_general3A_61 : vector<1024x768xf32>
    %add3A_65 = arith.addf %add3A_56, %mul3A_64 : vector<1024x768xf32>
    %get3A_66 = arith.constant 5376 : index
    %get3A_67 = arith.constant 0 : index
    %get3A_68 = vector.load %arg5[%get3A_66, %get3A_67] : memref<6144x768xbf16, #tpu.memory_space<vmem>>, vector<768x768xbf16>
    %dot_general3A_69 = arith.constant dense<0.000000e+00> : vector<1024x768xf32>
    %dot_general3A_70 = tpu.matmul %convert_element_type3A_4, %get3A_68, %dot_general3A_69 {dimension_numbers = #tpu.dot_dimension_numbers<[1], [0], [0], [1], [0, 0, 1, 1], [], []>, transpose_lhs_hint = false} : vector<1024x768xbf16>, vector<768x768xbf16>, vector<1024x768xf32> -> vector<1024x768xf32>
    %slice3A_71 = vector.extract_strided_slice %transpose3A {offsets = [0, 7], sizes = [1024, 1], strides = [1, 1]} : vector<1024x8xf32> to vector<1024x1xf32>
    %mul3A_72 = vector.broadcast %slice3A_71 : vector<1024x1xf32> to vector<1024x768xf32>
    %mul3A_73 = arith.mulf %mul3A_72, %dot_general3A_70 : vector<1024x768xf32>
    %add3A_74 = arith.addf %add3A_65, %mul3A_73 : vector<1024x768xf32>
    %swap3A = arith.constant 0 : index
    %swap3A_75 = arith.constant 0 : index
    %swap3A_76 = vector.load %arg4[%swap3A, %swap3A_75] : memref<1024x768xf32, #tpu.memory_space<vmem>>, vector<1024x768xf32>
    tpu.vector_store %arg4[%swap3A, %swap3A_75], %add3A_74 {strides = array<i32>} : memref<1024x768xf32, #tpu.memory_space<vmem>>, vector<1024x768xf32>,
    return
  }
  func.func @transform_0(%arg0: i32) -> (i32, i32) {
    %c0_i32 = arith.constant 0 : i32
    %c0_i32_0 = arith.constant 0 : i32
    return %arg0, %c0_i32 : i32, i32
  }
  func.func @transform_1(%arg0: i32) -> (i32, i32) {
    %c0_i32 = arith.constant 0 : i32
    %c0_i32_0 = arith.constant 0 : i32
    return %c0_i32, %arg0 : i32, i32
  }
  func.func @transform_2(%arg0: i32) -> (i32, i32) {
    %c0_i32 = arith.constant 0 : i32
    %c0_i32_0 = arith.constant 0 : i32
    %c0_i32_1 = arith.constant 0 : i32
    return %c0_i32, %c0_i32_0 : i32, i32
  }
  func.func @transform_3(%arg0: i32) -> (i32, i32) {
    %c0_i32 = arith.constant 0 : i32
    %c0_i32_0 = arith.constant 0 : i32
    return %arg0, %c0_i32 : i32, i32
  }
}

</mosaic_0001>

<sc_bundles>
// kernel: kernel.4.cloned.1.call-start
scs
__scs_entry_jumppad:
0x0: {  	(pc) =	sbr.rel $0x88, $3  }
0x1: {  	(tag) =	ssettag $0x0;
	lr =	simm.s32 $0x1  }
0x2: {  	[smem:$0x3F9B] =	sst lr;
	_ =	strace $0xD0000000  }
0x3: {  	_ = 	snop  }
0x4: {  	_ = 	snop  }
0x5: {  	_ = 	snop  }
0x6: {  	_ = 	snop  }
0x7: {  	_ = 	snop  }
__scs_overlays_trampoline_lowered:
0x8: {  	[smem:$0x3FAA] =	sst s0  }
0x9: {  	[smem:$0x3FAB] =	sst s1  }
0xa: {  	[smem:$0x3FAC] =	sst s2  }
0xb: {  	[smem:$0x3FAD] =	sst s3  }
0xc: {  	[smem:$0x3FAE] =	sst s4  }
0xd: {  	[smem:$0x3FAF] =	sst s5  }
0xe: {  	[smem:$0x3FB0] =	sst s6  }
0xf: {  	[smem:$0x3FB1] =	sst s7  }
0x10: {  	[smem:$0x3FB2] =	sst s8  }
0x11: {  	[smem:$0x3FB3] =	sst s9;
	s0 =	simm.s32 @!p0 $0x0  }
0x12: {  	s1 =	sld [smem:$0x3F99];
	s0 =	simm.s32 @p0 $0x1  }
0x13: {  	[smem:$0x3FB4] =	sst s0;
	s0 =	simm.s32 @!p1 $0x0  }
0x14: {  	s2 =	sld [smem:$0x3F98];
	s0 =	simm.s32 @p1 $0x1  }
0x15: {  	[smem:$0x3FB5] =	sst s0;
	s0 =	simm.s32 @!p2 $0x0  }
0x16: {  	s3 =	sld [smem:$0x3FDB];
	s0 =	simm.s32 @p2 $0x1  }
0x17: {  	s4 =	simm.s32 $0x1BF5;
	[smem:$0x3FB7] =	sst s0  }
0x18: {  	s0 =	sld [smem:$0x3F9A];
	_ =	swait.ge [sflag:s4], $0x0  }
0x19: {  	s7 =	sld [smem:$0x3F9B]  }
0x1a: {  	s8 =	sadd.s32 $0xFFFFE003, lr  }
0x1b: {  	s9 =	sadd.s32 $0xFFFFFEF7, lr;
	s5 =	simm.s32 $0xFFFFFFFF;
	p2 =	slt.u32 s8, $0xFFFFF086  }
0x1c: {  	p1 =	slt.u32 s9, $0xF7A;
	s5 =	simm.s32 @!p2 $0x0  }
0x1d: {  	s5 =	simm.s32 @p1 $0x1;
	p0 =	seq.s32 s7, s2  }
0x1e: {  	s7 =	smul.u32 @!p0 $0xF7A, s2;
	p2 =	seq.s32 @!p0 s5, $0x0  }
0x1f: {  	s9 =	smul.u32 $0xF7A, s1;
	s8 =	simm.s32 @!p0 $0x1BF5;
	p2 =	por !p2, p0  }
0x20: {  	[sflag:s8] =	ssyncset.s32 @!p0 $0xFFFFF086;
	s6 =	sadd.s32 @!p0 s3, s7;
	s7 =	simm.s32 @!p0 $0x108  }
0x21: {  	s3 =	sadd.s32 s3, s9;
	s6 =	sadd.s32 @!p0 $0x88, s6;
	s7 =	simm.s32 @p2 $0x1082  }
0x22: {  	[simem:s7], [sflag:s8] =	dma.local @!p0 [hbm:s6], $0xF7A  }
0x23: {  	s9 =	sor.u32 $0xD0000000, s2;
	s6 =	simm.s32 $0x108;
	_ =	swait.ge @!p0 [sflag:s8], $0x0  }
0x24: {  	s3 =	sadd.s32 $0x88, s3;
	s6 =	simm.s32 @!p1 $0x1082;
	[sflag:s4] =	ssyncset.s32 $0xFFFFF086  }
0x25: {  	[simem:s6], [sflag:s4] =	dma.local [hbm:s3], $0xF7A  }
0x26: {  	[smem:$0x3F9B] =	sst s1;
	(tag) =	ssettag s2;
	_ =	strace s9  }
0x27: {  	s1 =	sld [smem:$0x3FAB]  }
0x28: {  	s2 =	sld [smem:$0x3FAC]  }
0x29: {  	s4 =	sld [smem:$0x3FAE]  }
0x2a: {  	p0 =	seq.s32 s5, $0x0;
	s5 =	sld [smem:$0x3FAF]  }
0x2b: {  	s6 =	sld [smem:$0x3FB0]  }
0x2c: {  	s7 =	sld [smem:$0x3FB1]  }
0x2d: {  	s3 =	simm.s32 $0x108;
	s8 =	sld [smem:$0x3FB2]  }
0x2e: {  	s3 =	simm.s32 @!p0 $0x1082;
	s9 =	sld [smem:$0x3FB3]  }
0x2f: {  	lr =	sadd.s32 s0, s3;
	s0 =	sld [smem:$0x3FAA]  }
0x30: {  	s3 =	sld [smem:$0x3FAD]  }
0x31: {  	[smem:$0x3FB6] =	sst s10  }
0x32: {  	s10 =	sld [smem:$0x3FB4];
	_ =	sdelay $0x3  }
0x33: {  	p0 =	seq.s32 s10, $0x1;
	s10 =	sld [smem:$0x3FB6];
	_ =	sdelay $0x3  }
0x34: {  	[smem:$0x3FB6] =	sst s10  }
0x35: {  	s10 =	sld [smem:$0x3FB5];
	_ =	sdelay $0x3  }
0x36: {  	p1 =	seq.s32 s10, $0x1;
	s10 =	sld [smem:$0x3FB6];
	_ =	sdelay $0x3  }
0x37: {  	[smem:$0x3FB6] =	sst s10  }
0x38: {  	s10 =	sld [smem:$0x3FB7]  }
0x39: {  	_ = 	snop;
	(pc) =	sbr.ind lr, $3  }
0x3a: {  	_ = 	snop  }
0x3b: {  	_ = 	snop  }
0x3c: {  	p2 =	seq.s32 s10, $0x1;
	s10 =	sld [smem:$0x3FB6]  }
0x3d: {  	_ =	shalt  }
0x3e: {  	_ =	shalt  }
0x3f: {  	_ =	shalt  }
0x40: {  	_ =	shalt  }
0x41: {  	_ =	shalt  }
0x42: {  	_ =	shalt  }
0x43: {  	_ =	shalt  }
0x44: {  	_ =	shalt  }
0x45: {  	_ =	shalt  }
0x46: {  	_ =	shalt  }
0x47: {  	_ =	shalt  }
0x48: {  	_ =	shalt  }
0x49: {  	_ =	shalt  }
0x4a: {  	_ =	shalt  }
0x4b: {  	_ =	shalt  }
0x4c: {  	_ =	shalt  }
0x4d: {  	_ =	shalt  }
0x4e: {  	_ =	shalt  }
0x4f: {  	_ =	shalt  }
0x50: {  	_ =	shalt  }
0x51: {  	_ =	shalt  }
0x52: {  	_ =	shalt  }
0x53: {  	_ =	shalt  }
0x54: {  	_ =	shalt  }
0x55: {  	_ =	shalt  }
0x56: {  	_ =	shalt  }
0x57: {  	_ =	shalt  }
0x58: {  	_ =	shalt  }
0x59: {  	_ =	shalt  }
0x5a: {  	_ =	shalt  }
0x5b: {  	_ =	shalt  }
0x5c: {  	_ =	shalt  }
0x5d: {  	_ =	shalt  }
0x5e: {  	_ =	shalt  }
0x5f: {  	_ =	shalt  }
0x60: {  	_ =	shalt  }
0x61: {  	_ =	shalt  }
0x62: {  	_ =	shalt  }
0x63: {  	_ =	shalt  }
0x64: {  	_ =	shalt  }
0x65: {  	_ =	shalt  }
0x66: {  	_ =	shalt  }
0x67: {  	_ =	shalt  }
0x68: {  	_ =	shalt  }
0x69: {  	_ =	shalt  }
0x6a: {  	_ =	shalt  }
0x6b: {  	_ =	shalt  }
0x6c: {  	_ =	shalt  }
0x6d: {  	_ =	shalt  }
0x6e: {  	_ =	shalt  }
0x6f: {  	_ =	shalt  }
0x70: {  	_ =	shalt  }
0x71: {  	_ =	shalt  }
0x72: {  	_ =	shalt  }
0x73: {  	_ =	shalt  }
0x74: {  	_ =	shalt  }
0x75: {  	_ =	shalt  }
0x76: {  	_ =	shalt  }
0x77: {  	_ =	shalt  }
0x78: {  	_ =	shalt  }
0x79: {  	_ =	shalt  }
0x7a: {  	_ =	shalt  }
0x7b: {  	_ =	shalt  }
0x7c: {  	_ =	shalt  }
0x7d: {  	_ =	shalt  }
0x7e: {  	_ =	shalt  }
0x7f: {  	_ =	shalt  }
0x80: {  	_ =	shalt  }
0x81: {  	_ =	shalt  }
0x82: {  	_ =	shalt  }
0x83: {  	_ =	shalt  }
0x84: {  	_ =	shalt  }
0x85: {  	_ =	shalt  }
0x86: {  	_ =	shalt  }
0x87: {  	_ =	shalt  }
.Lfunc_end0:
.L_simem_size_0:
called_computation_lowered:
.L_overlay_start_0:
0x88: {  	s2 =	sld [smem:$0x3FD9]  }
0x89: {  	s3 =	sld [smem:$0x3FFE];
	_ =	sdelay $0x1  }
0x8a: {  	s1 =	srdreg.scid  }
0x8b: {  	s0 =	sand.u32 $0x1, s1  }
0x8c: {  	s17 =	sshll.u32 s0, $0xA;
	s2 =	sadd.s32 s3, s2  }
0x8d: {  	s2 =	sadd.s32 s2, s17  }
0x8e: {  	[smem:$0x3FC2] =	sst s2  }
0x8f: {  	_ = 	snop  }
0x90: {  	s2 =	sld [smem:$0x3FD0];
	(tm) =	ssettm $0x1  }
0x91: {  	s18 =	sld [smem:$0x3FFB];
	_ =	sdelay $0x3  }
0x92: {  	_ =	strace s18  }
0x93: {  	s3 =	sld [smem:$0x3FFC];
	_ =	sdelay $0x3  }
0x94: {  	_ =	strace s3  }
0x95: {  	s3 =	sld [smem:$0x3FFD];
	_ =	sdelay $0x3  }
0x96: {  	_ =	strace s3  }
0x97: {  	_ =	strace $0x8FFFFFFF  }
0x98: {  	s19 =	sld [smem:$0x3FDB];
	_ =	sdelay $0x1  }
0x99: {  	s4 =	simm.s32 $_scs_section_size  }
0x9a: {  	s5 =	simm.s32 $_size__tile_overlayer_lowered;
	s6 =	simm.s32 $_tile_overlayer_lowered  }
0x9b: {  	s22 =	simm.s32 $0x1BFF;
	s21 =	sshll.u32 s6, $0x1;
	s3 =	sadd.s32 s4, s19  }
0x9c: {  	s7 =	simm.s32 $0x0;
	s20 =	sshll.u32 s5, $0x1;
	s5 =	sadd.s32 s21, s3  }
0x9d: {  	[timem:s7], [sflag:s22] =	dma.local [hbm:s5], s20  }
0x9e: {  	_ =	swait.ge [sflag:s22], s20  }
0x9f: {  	s4 =	ssub.s32 $0x0, s20;
	[sflag:s22] =	ssyncset.done $0x0  }
0xa0: {  	[sflag:s22] =	ssyncadd.s32 s4;
	_ =	sdelay $0x1  }
0xa1: {  	s23 =	simm.s32 $0x1B8B  }
0xa2: {  	_ =	swait.ge [sflag:s23], $0x1  }
0xa3: {  	[sflag:s23] =	ssyncset.done $0x0  }
0xa4: {  	s25 =	simm.s32 $0x1B8E;
	s24 =	sld [smem:$0x3FFE];
	[sflag:s23] =	ssyncadd.s32 $0xFFFFFFFF  }
0xa5: {  	s26 =	simm.s32 $execute0_lowered;
	[smem:$0x3FD2] =	sst s25  }
0xa6: {  	s5 =	sshll.u32 s26, $0x1;
	_ =	strace $0x80000046;
	[dreg:$0x1] =	wrdreg $0xFFFFFFFF  }
0xa7: {  	s28 =	simm.s32 $_size_execute0_lowered;
	s3 =	sadd.s32 s3, s5;
	[dreg:$0x0] =	wrdreg $0x0  }
0xa8: {  	s5 =	sshll.u32 s28, $0x1;
	[dreg:$0x2] =	wrdreg s3  }
0xa9: {  	[dreg:$0x3] =	wrdreg s5  }
0xaa: {  	[dreg:$0x4] =	wrdreg $0xC0  }
0xab: {  	_ =	task [dreg:s7], $0x5FFFF  }
0xac: {  	[dreg:$0x1] =	wrdreg $0xFFFFFFFF  }
0xad: {  	[dreg:$0x0] =	wrdreg $0x60  }
0xae: {  	[dreg:$0x2] =	wrdreg s2  }
0xaf: {  	[dreg:$0x3] =	wrdreg s24  }
0xb0: {  	[dreg:$0x4] =	wrdreg $0x9  }
0xb1: {  	_ =	task.clear_ibuf [dreg:s7], $0x5FFFF;
	_ =	strace $0x90000046  }
0xb2: {  	s29 =	simm.s32 $0x9;
	_ =	strace $0x80000048  }
0xb3: {  	_ =	swait.ge [sflag:s29], $0x1  }
0xb4: {  	[sflag:s29] =	ssyncadd.s32 $0xFFFFFFFF  }
0xb5: {  	_ =	strace $0x90000048  }
0xb6: {  	_ =	sfence  }
0xb7: {  	s30 =	sld [smem:$0x0];
	_ =	sdelay $0x2  }
0xb8: {  	s31 =	sshll.u32 s1, $0xD;
	s1 =	sshrl.u32 s1, $0x2  }
0xb9: {  	s3 =	sand.u32 $0x4000, s31;
	s1 =	sadd.s32 s1, s30  }
0xba: {  	s0 =	sor.u32 s3, s0;
	s1 =	sshll.u32 s1, $0x11  }
0xbb: {  	s0 =	sor.u32 s1, s0  }
0xbc: {  	s0 =	sadd.s32 $0x8F2B, s0  }
0xbd: {  	[sflag:s0] =	ssyncadd.remote.s32 $0x1  }
0xbe: {  	_ =	sfence.sel $0xFFFF  }
0xbf: {  	[dreg:$0x0] =	wrdreg $0xFFFFFFFF;
	(pc) =	sbr.abs _section_cstart, $3  }
0xc0: {  	[dreg:$0x1] =	wrdreg $0xFFFFFFFF  }
0xc1: {  	_ =	task.clear_ibuf [dreg:s7], $0x2FFFF;
	_ =	strace $0x9FFFFFFF  }
0xc2: {  	(tm) =	ssettm $0x7FFFFFFF  }
0xc3: {  	_ =	shalt  }
tec
execute0_lowered:
.L_overlay_start_1:
0x0: {  	(tag) =	ssettag $0x1  }
0x1: {  	s3 =	rddreg [dreg:$0x0]  }
0x2: {  	s4 =	rddreg [dreg:$0x1]  }
0x3: {  	s0 =	rddreg [dreg:$0x2];
	s5 =	srdreg.scid  }
0x4: {  	s2 =	simm.s32 $0x0;
	s1 =	stileid.u32;
	s8 =	simm.s32 $0x0  }
0x5: {  	s5 =	sand.u32 $0x1, s5;
	s6 =	sshll.u32 s1, $0x9;
	[smem:$0x7FF] =	sst s2  }
0x6: {  	s7 =	sshll.u32 s5, $0x8;
	s5 =	ssub.s32 $0x2, s5;
	_ =	strace $0x80000047  }
0x7: {  	s6 =	sor.u32 s7, s6;
	s31 =	sshrl.u32 s5, $0x1;
	s7 =	simm.s32 $0x800  }
0x8: {  	s4 =	sadd.s32 s6, s4;
	s5 =	ssub.s32 s5, s31;
	s3 =	sadd.s32 s3, s6  }
0x9: {  	v0 =	vimm.s32 $0x8;
	s6 =	simm.s32 $0x1;
	s4 =	sadd.s32 $0xA00, s4;
	s5 =	smax.u32 s5, $0x1  }
.LBB2_1:
0xa: {  	[tilespmem:s2], [sflag:$0x1] =	stream.linear.gather [hbm4b:s3+s2], $0x800, $0x38;
	[tilespmem:$0x1000] =	vst v63  }
0xb: {  	s9 =	sand.u32 $0xFFFFFC00, s2;
	_ =	swait.ge [sflag:s6], $0x800  }
0xc: {  	s10 =	sand.u32 $0x70, s2;
	s11 =	sand.u32 $0x400, s2;
	[sflag:s6] =	ssyncset.done $0x0  }
0xd: {  	s12 =	sor.u32 s10, s11;
	s9 =	sadd.s32 $0x0, s9;
	[sflag:s6] =	ssyncadd.s32 $0xFFFFF800  }
0xe: {  	s13 =	sor.u32 $0x80, s9;
	v1 =	vld [tilespmem:s12+$0x0]  }
0xf: {  	v2 =	vld [tilespmem:s13+$0x0]  }
0x10: {  	s29 =	sor.u32 $0x180, s9;
	v3 =	vld [tilespmem:s12+$0x100]  }
0x11: {  	v4 =	vld [tilespmem:s29+$0x0]  }
0x12: {  	s30 =	sor.u32 $0x280, s9;
	v5 =	vld [tilespmem:s12+$0x200]  }
0x13: {  	s31 =	sor.u32 s2, s2;
	v6 =	vld [tilespmem:s30+$0x0]  }
0x14: {  	s9 =	sor.u32 $0x380, s31;
	v7 =	vld [tilespmem:s12+$0x300];
	v8 =	vmax.f32 v1, v2  }
0x15: {  	v9 =	vld [tilespmem:s9+$0x0];
	v10 =	vmax.f32 v8, v3  }
0x16: {  	v10 =	vmax.f32 v10, v4  }
0x17: {  	v10 =	vmax.f32 v10, v5  }
0x18: {  	v10 =	vmax.f32 v10, v6  }
0x19: {  	v10 =	vmax.f32 v10, v7  }
0x1a: {  	v10 =	vmax.f32 v10, v9  }
0x1b: {  	vm0 =	veq.f32 v9, v10  }
0x1c: {  	vm9 =	veq.f32 v7, v10;
	v11 =	vsel vm0, $0x7, v0  }
0x1d: {  	vm10 =	veq.f32 v6, v10;
	v11 =	vsel vm9, $0x6, v11  }
0x1e: {  	vm11 =	veq.f32 v5, v10;
	v11 =	vsel vm10, $0x5, v11  }
0x1f: {  	vm1 =	veq.f32 v4, v10;
	vm2 =	veq.f32 v2, v10;
	v11 =	vsel vm11, $0x4, v11  }
0x20: {  	vm12 =	veq.f32 v3, v10;
	vm6 =	vne.f32 v1, v10;
	v11 =	vsel vm1, $0x3, v11  }
0x21: {  	vm4 =	vmand vm6, vm2;
	v11 =	vsel vm12, $0x2, v11  }
0x22: {  	v8 =	vsel vm4, v1, v8;
	v11 =	vsel vm2, $0x1, v11  }
0x23: {  	v8 =	vsel vm6, v8, v2;
	v11 =	vnsel vm6, $0x0, v11  }
0x24: {  	v12 =	vmax.f32 v8, v3;
	vm7 =	veq.s32 v11, $0x2  }
0x25: {  	v8 =	vsel vm7, v8, v12  }
0x26: {  	vm5 =	veq.s32 v11, $0x3;
	v8 =	vmax.f32 v8, v4  }
0x27: {  	v12 =	vsel vm5, v12, v8  }
0x28: {  	vm2 =	veq.s32 v11, $0x4;
	v12 =	vmax.f32 v12, v5  }
0x29: {  	v8 =	vsel vm2, v8, v12  }
0x2a: {  	vm3 =	veq.s32 v11, $0x5;
	v8 =	vmax.f32 v8, v6  }
0x2b: {  	v12 =	vsel vm3, v12, v8  }
0x2c: {  	vm1 =	veq.s32 v11, $0x6;
	v12 =	vmax.f32 v12, v7  }
0x2d: {  	v8 =	vsel vm1, v8, v12  }
0x2e: {  	vm0 =	veq.s32 v11, $0x7;
	v8 =	vmax.f32 v8, v9  }
0x2f: {  	v8 =	vsel vm0, v12, v8  }
0x30: {  	v10 =	vsub.f32 v8, v10;
	_ =	sdelay $0x1  }
0x31: {  	v10 =	vmul.f32 $1.442695020e+00, v10;
	_ =	sdelay $0x1  }
0x32: {  	(erf) = vpow2.f32 v10;
	_ =	sdelay $0x8  }
0x33: {  	v10 =	vpop (erf)  }
0x34: {  	v53 =	vadd.f32 $1.000000000e+00, v10  }
0x35: {  	vm8 =	vne.s32 v11, $0x3;
	vm9 =	vne.s32 v11, $0x7;
	vm11 =	vne.s32 v11, $0x5  }
0x36: {  	vm12 =	vne.s32 v11, $0x6;
	vm10 =	veq.f32 v9, v8;
	(erf) = vrcp.f32 v53  }
0x37: {  	vm15 =	vne.s32 v11, $0x4;
	vm13 =	veq.f32 v7, v8;
	vm9 =	vmand vm9, vm10  }
0x38: {  	vm10 =	vmand vm12, vm13;
	v54 =	vsel vm9, $0x7, v0;
	vm9 =	veq.f32 v6, v8  }
0x39: {  	vm14 =	veq.f32 v5, v8;
	vm9 =	vmand vm11, vm9;
	v55 =	vsel vm10, $0x6, v54  }
0x3a: {  	vm12 =	veq.f32 v4, v8;
	vm10 =	vmand vm15, vm14;
	v4 =	vsel vm9, $0x5, v55  }
0x3b: {  	vm8 =	vmand vm8, vm12;
	v4 =	vsel vm10, $0x4, v4  }
0x3c: {  	vm13 =	veq.f32 v3, v8;
	v3 =	vsel vm8, $0x3, v4  }
0x3d: {  	vm12 =	vne.s32 v11, $0x2  }
0x3e: {  	vm9 =	vmand vm12, vm13  }
0x3f: {  	vm14 =	vne.f32 v2, v8;
	v2 =	vsel vm9, $0x2, v3;
	v3 =	vpop (erf)  }
0x40: {  	vm15 =	veq.f32 v1, v8;
	vm8 =	vmor vm4, vm14;
	v1 =	vmul.f32 v3, v10  }
0x41: {  	vm9 =	vmand vm6, vm15;
	v2 =	vnsel vm8, $0x1, v2  }
0x42: {  	vm8 =	vmor vm9, vm8;
	v2 =	vsel vm9, $0x0, v2;
	v56 =	vnsel vm9, $0x0, v1  }
0x43: {  	vm10 =	veq.s32 v2, $0x2;
	v57 =	vsel vm8, $0x0, v1;
	v4 =	vsel vm6, v56, v3  }
0x44: {  	vm11 =	veq.s32 v2, $0x3;
	v58 =	vnsel vm10, $0x0, v1;
	v5 =	vsel vm4, v3, v57;
	[tilespmem:s12+$0x800] =	vst v4  }
0x45: {  	vm12 =	veq.s32 v2, $0x4;
	v60 =	vnsel vm11, $0x0, v1;
	v59 =	vsel vm7, v3, v58;
	[tilespmem:s13+$0x800] =	vst v5  }
0x46: {  	vm13 =	veq.s32 v2, $0x5;
	v61 =	vnsel vm12, $0x0, v1;
	v6 =	vsel vm5, v3, v60;
	[tilespmem:s12+$0x900] =	vst v59  }
0x47: {  	vm14 =	veq.s32 v2, $0x6;
	v62 =	vnsel vm13, $0x0, v1;
	v5 =	vsel vm2, v3, v61;
	[tilespmem:s29+$0x800] =	vst v6  }
0x48: {  	vm15 =	veq.s32 v2, $0x7;
	v63 =	vnsel vm14, $0x0, v1;
	v4 =	vsel vm3, v3, v62;
	[tilespmem:s12+$0xA00] =	vst v5  }
0x49: {  	s14 =	simm.s32 $0x20;
	s10 =	simm.s32 $0x10;
	s11 =	simm.s32 $0x80;
	v1 =	vnsel vm15, $0x0, v1;
	v2 =	vsel vm1, v3, v63;
	[tilespmem:s30+$0x800] =	vst v4  }
0x4a: {  	s15 =	sand.u32 $0xFFFFFC00, s11;
	s16 =	sand.u32 $0x70, s10;
	s17 =	sand.u32 $0x400, s11;
	v1 =	vsel vm0, v3, v1;
	[tilespmem:s12+$0xB00] =	vst v2  }
.LBB2_2:
0x4b: {  	s12 =	sor.u32 s16, s17;
	s26 =	sadd.s32 s15, s10;
	[tilespmem:s9+$0x800] =	vst v1  }
0x4c: {  	v1 =	vld [tilespmem:s12+$0x0];
	s29 =	sor.u32 $0x80, s26  }
0x4d: {  	v2 =	vld [tilespmem:s29+$0x0]  }
0x4e: {  	v3 =	vld [tilespmem:s12+$0x100];
	s15 =	sor.u32 $0x180, s26  }
0x4f: {  	v4 =	vld [tilespmem:s15+$0x0]  }
0x50: {  	v5 =	vld [tilespmem:s12+$0x200];
	s30 =	sor.u32 $0x280, s26  }
0x51: {  	s31 =	sor.u32 s11, s10;
	v6 =	vld [tilespmem:s30+$0x0]  }
0x52: {  	v7 =	vld [tilespmem:s12+$0x300];
	s9 =	sor.u32 $0x380, s31;
	v8 =	vmax.f32 v1, v2  }
0x53: {  	v9 =	vld [tilespmem:s9+$0x0];
	v10 =	vmax.f32 v8, v3  }
0x54: {  	v10 =	vmax.f32 v10, v4  }
0x55: {  	v10 =	vmax.f32 v10, v5  }
0x56: {  	v10 =	vmax.f32 v10, v6  }
0x57: {  	v10 =	vmax.f32 v10, v7  }
0x58: {  	v10 =	vmax.f32 v10, v9  }
0x59: {  	vm0 =	veq.f32 v9, v10  }
0x5a: {  	vm12 =	veq.f32 v7, v10;
	v11 =	vsel vm0, $0x7, v0  }
0x5b: {  	vm13 =	veq.f32 v6, v10;
	v11 =	vsel vm12, $0x6, v11  }
0x5c: {  	vm14 =	veq.f32 v5, v10;
	v11 =	vsel vm13, $0x5, v11  }
0x5d: {  	vm1 =	veq.f32 v4, v10;
	vm2 =	veq.f32 v2, v10;
	v11 =	vsel vm14, $0x4, v11  }
0x5e: {  	vm3 =	veq.f32 v3, v10;
	v11 =	vsel vm1, $0x3, v11;
	vm1 =	vne.f32 v1, v10  }
0x5f: {  	v11 =	vsel vm3, $0x2, v11;
	vm3 =	vmand vm1, vm2  }
0x60: {  	v11 =	vsel vm2, $0x1, v11;
	v8 =	vsel vm3, v1, v8  }
0x61: {  	v11 =	vnsel vm1, $0x0, v11;
	v8 =	vsel vm1, v8, v2  }
0x62: {  	vm2 =	veq.s32 v11, $0x2;
	v12 =	vmax.f32 v8, v3  }
0x63: {  	v8 =	vsel vm2, v8, v12  }
0x64: {  	vm15 =	veq.s32 v11, $0x3;
	v8 =	vmax.f32 v8, v4  }
0x65: {  	v12 =	vsel vm15, v12, v8  }
0x66: {  	vm4 =	veq.s32 v11, $0x4;
	v12 =	vmax.f32 v12, v5  }
0x67: {  	v8 =	vsel vm4, v8, v12  }
0x68: {  	vm6 =	veq.s32 v11, $0x5;
	v8 =	vmax.f32 v8, v6  }
0x69: {  	v12 =	vsel vm6, v12, v8  }
0x6a: {  	vm5 =	veq.s32 v11, $0x6;
	v12 =	vmax.f32 v12, v7  }
0x6b: {  	v8 =	vsel vm5, v8, v12  }
0x6c: {  	vm7 =	veq.s32 v11, $0x7;
	v8 =	vmax.f32 v8, v9  }
0x6d: {  	v8 =	vsel vm7, v12, v8  }
0x6e: {  	v54 =	vsub.f32 v8, v10;
	_ =	sdelay $0x1  }
0x6f: {  	vm14 =	veq.f32 v4, v8;
	v4 =	vmul.f32 $1.442695020e+00, v54;
	_ =	sdelay $0x1  }
0x70: {  	(erf) = vpow2.f32 v4;
	_ =	sdelay $0x2  }
0x71: {  	v13 =	vimm.s32 $0x0  }
0x72: {  	vm8 =	vne.s32 v11, $0x2;
	vm10 =	vne.s32 v11, $0x5;
	vm11 =	vne.s32 v11, $0x7  }
0x73: {  	vm12 =	vne.s32 v11, $0x6;
	v13 =	vsel vm15, $0xFFFFFFFF, v13;
	vm13 =	veq.f32 v9, v8  }
0x74: {  	vm0 =	veq.f32 v7, v8;
	vm15 =	veq.f32 v6, v8;
	vm11 =	vmand vm11, vm13  }
0x75: {  	vm12 =	vmand vm12, vm0;
	vm0 =	veq.f32 v1, v8;
	v55 =	vsel vm11, $0x7, v0  }
0x76: {  	vm10 =	vmand vm10, vm15;
	v1 =	vsel vm12, $0x6, v55;
	vm12 =	veq.f32 v3, v8  }
0x77: {  	v1 =	vsel vm10, $0x5, v1;
	vm10 =	vmand vm8, vm12;
	vm12 =	vne.f32 v2, v8;
	v2 =	vpop (erf)  }
0x78: {  	v3 =	vadd.f32 $1.000000000e+00, v2;
	_ =	sdelay $0x1  }
0x79: {  	(erf) = vrcp.f32 v3;
	_ =	sdelay $0x2  }
0x7a: {  	vm13 =	vne.s32 v11, $0x4;
	vm11 =	veq.f32 v5, v8  }
0x7b: {  	vm9 =	vne.s32 v11, $0x3;
	vm11 =	vmand vm13, vm11  }
0x7c: {  	vm9 =	vmand vm9, vm14;
	v1 =	vsel vm11, $0x4, v1  }
0x7d: {  	v1 =	vsel vm9, $0x3, v1  }
0x7e: {  	vm14 =	vmor vm3, vm12;
	v1 =	vsel vm10, $0x2, v1  }
0x7f: {  	vm8 =	vmand vm1, vm0;
	v1 =	vnsel vm14, $0x1, v1  }
0x80: {  	[tilespmem:$0x1FFF0] =	vst v13;
	v1 =	vsel vm8, $0x0, v1;
	v3 =	vpop (erf)  }
0x81: {  	v60 =	vld [tilespmem:$0x1FFF0];
	vm0 =	vmor vm8, vm14;
	vm9 =	veq.s32 v1, $0x6;
	v2 =	vmul.f32 v3, v2  }
0x82: {  	vm10 =	veq.s32 v1, $0x7;
	vm11 =	veq.s32 v1, $0x5;
	vm12 =	veq.s32 v1, $0x2  }
0x83: {  	vm13 =	veq.s32 v1, $0x3;
	vm14 =	veq.s32 v1, $0x4;
	v1 =	vnsel vm8, $0x0, v2  }
0x84: {  	v56 =	vsel vm0, $0x0, v2;
	v1 =	vsel vm1, v1, v3  }
0x85: {  	v57 =	vnsel vm12, $0x0, v2;
	v4 =	vsel vm3, v3, v56;
	[tilespmem:s12+$0x800] =	vst v1  }
0x86: {  	p0 =	sne.s32 s14, $0xF0;
	vm15 =	vnez.u8 v60;
	v5 =	vsel vm2, v3, v57;
	v1 =	vnsel vm13, $0x0, v2;
	[tilespmem:s29+$0x800] =	vst v4  }
.Ltmp0:
0x87: {  	v58 =	vnsel vm14, $0x0, v2;
	v1 =	vsel vm15, v3, v1;
	[tilespmem:s12+$0x900] =	vst v5;
	(pc) =	sbr.rel @p0 .LBB2_2-.Ltmp0, $4  }
0x88: {  	v59 =	vnsel vm11, $0x0, v2;
	v61 =	vsel vm4, v3, v58;
	[tilespmem:s15+$0x800] =	vst v1  }
0x89: {  	s28 =	smov.u32 s14;
	s11 =	sadd.s32 $0x80, s11;
	v63 =	vnsel vm9, $0x0, v2;
	v62 =	vsel vm6, v3, v59;
	[tilespmem:s12+$0xA00] =	vst v61  }
0x8a: {  	s13 =	sadd.s32 $0x10, s14;
	s10 =	smov.u32 s28;
	s17 =	sand.u32 $0x400, s11;
	v2 =	vnsel vm10, $0x0, v2;
	v5 =	vsel vm5, v3, v63;
	[tilespmem:s30+$0x800] =	vst v62  }
0x8b: {  	s14 =	smov.u32 s13;
	s16 =	sand.u32 $0x70, s10;
	v1 =	vsel vm7, v3, v2;
	s15 =	sand.u32 $0xFFFFFC00, s11;
	[tilespmem:s12+$0xB00] =	vst v5  }
0x8c: {  	s12 =	sor.u32 s16, s17;
	s15 =	sadd.s32 s15, s10;
	[tilespmem:s9+$0x800] =	vst v1  }
0x8d: {  	v1 =	vld [tilespmem:s12+$0x0];
	s14 =	sor.u32 $0x80, s15  }
0x8e: {  	v2 =	vld [tilespmem:s14+$0x0]  }
0x8f: {  	v3 =	vld [tilespmem:s12+$0x100];
	s13 =	sor.u32 $0x180, s15  }
0x90: {  	v4 =	vld [tilespmem:s13+$0x0]  }
0x91: {  	v5 =	vld [tilespmem:s12+$0x200];
	s30 =	sor.u32 $0x280, s15  }
0x92: {  	s31 =	sor.u32 s11, s10;
	v6 =	vld [tilespmem:s30+$0x0]  }
0x93: {  	v7 =	vld [tilespmem:s12+$0x300];
	s10 =	sor.u32 $0x380, s31;
	v8 =	vmax.f32 v1, v2  }
0x94: {  	v9 =	vld [tilespmem:s10+$0x0];
	v10 =	vmax.f32 v8, v3  }
0x95: {  	v10 =	vmax.f32 v10, v4  }
0x96: {  	v10 =	vmax.f32 v10, v5  }
0x97: {  	v10 =	vmax.f32 v10, v6  }
0x98: {  	v10 =	vmax.f32 v10, v7  }
0x99: {  	v10 =	vmax.f32 v10, v9  }
0x9a: {  	vm0 =	veq.f32 v9, v10  }
0x9b: {  	vm9 =	veq.f32 v7, v10;
	v11 =	vsel vm0, $0x7, v0  }
0x9c: {  	vm10 =	veq.f32 v6, v10;
	v11 =	vsel vm9, $0x6, v11  }
0x9d: {  	vm11 =	veq.f32 v5, v10;
	v11 =	vsel vm10, $0x5, v11  }
0x9e: {  	vm1 =	veq.f32 v4, v10;
	vm2 =	veq.f32 v2, v10;
	v11 =	vsel vm11, $0x4, v11  }
0x9f: {  	vm12 =	veq.f32 v3, v10;
	vm6 =	vne.f32 v1, v10;
	v11 =	vsel vm1, $0x3, v11  }
0xa0: {  	vm4 =	vmand vm6, vm2;
	v11 =	vsel vm12, $0x2, v11  }
0xa1: {  	v8 =	vsel vm4, v1, v8;
	v11 =	vsel vm2, $0x1, v11  }
0xa2: {  	v8 =	vsel vm6, v8, v2;
	v11 =	vnsel vm6, $0x0, v11  }
0xa3: {  	v12 =	vmax.f32 v8, v3;
	vm7 =	veq.s32 v11, $0x2  }
0xa4: {  	v8 =	vsel vm7, v8, v12  }
0xa5: {  	vm5 =	veq.s32 v11, $0x3;
	v8 =	vmax.f32 v8, v4  }
0xa6: {  	v12 =	vsel vm5, v12, v8  }
0xa7: {  	vm2 =	veq.s32 v11, $0x4;
	v12 =	vmax.f32 v12, v5  }
0xa8: {  	v8 =	vsel vm2, v8, v12  }
0xa9: {  	vm3 =	veq.s32 v11, $0x5;
	v8 =	vmax.f32 v8, v6  }
0xaa: {  	v12 =	vsel vm3, v12, v8  }
0xab: {  	vm0 =	veq.s32 v11, $0x6;
	v12 =	vmax.f32 v12, v7  }
0xac: {  	v8 =	vsel vm0, v8, v12  }
0xad: {  	vm1 =	veq.s32 v11, $0x7;
	v8 =	vmax.f32 v8, v9  }
0xae: {  	v8 =	vsel vm1, v12, v8  }
0xaf: {  	v10 =	vsub.f32 v8, v10;
	_ =	sdelay $0x1  }
0xb0: {  	v10 =	vmul.f32 $1.442695020e+00, v10;
	_ =	sdelay $0x1  }
0xb1: {  	(erf) = vpow2.f32 v10;
	_ =	sdelay $0x8  }
0xb2: {  	v10 =	vpop (erf)  }
0xb3: {  	v53 =	vadd.f32 $1.000000000e+00, v10  }
0xb4: {  	vm8 =	vne.s32 v11, $0x3;
	vm9 =	vne.s32 v11, $0x7;
	vm11 =	vne.s32 v11, $0x5  }
0xb5: {  	vm12 =	vne.s32 v11, $0x6;
	vm10 =	veq.f32 v9, v8;
	(erf) = vrcp.f32 v53  }
0xb6: {  	vm15 =	vne.s32 v11, $0x4;
	vm13 =	veq.f32 v7, v8;
	vm9 =	vmand vm9, vm10  }
0xb7: {  	vm10 =	vmand vm12, vm13;
	v54 =	vsel vm9, $0x7, v0;
	vm9 =	veq.f32 v6, v8  }
0xb8: {  	vm14 =	veq.f32 v5, v8;
	vm9 =	vmand vm11, vm9;
	v55 =	vsel vm10, $0x6, v54  }
0xb9: {  	vm12 =	veq.f32 v4, v8;
	vm10 =	vmand vm15, vm14;
	v4 =	vsel vm9, $0x5, v55  }
0xba: {  	vm8 =	vmand vm8, vm12;
	v4 =	vsel vm10, $0x4, v4  }
0xbb: {  	vm13 =	veq.f32 v3, v8;
	v3 =	vsel vm8, $0x3, v4  }
0xbc: {  	vm12 =	vne.s32 v11, $0x2  }
0xbd: {  	vm9 =	vmand vm12, vm13  }
0xbe: {  	vm14 =	vne.f32 v2, v8;
	v2 =	vsel vm9, $0x2, v3;
	v3 =	vpop (erf)  }
0xbf: {  	vm15 =	veq.f32 v1, v8;
	vm8 =	vmor vm4, vm14;
	v1 =	vmul.f32 v3, v10  }
0xc0: {  	vm9 =	vmand vm6, vm15;
	v2 =	vnsel vm8, $0x1, v2  }
0xc1: {  	vm8 =	vmor vm9, vm8;
	v2 =	vsel vm9, $0x0, v2;
	v56 =	vnsel vm9, $0x0, v1  }
0xc2: {  	vm10 =	veq.s32 v2, $0x2;
	v57 =	vsel vm8, $0x0, v1;
	v4 =	vsel vm6, v56, v3  }
0xc3: {  	vm11 =	veq.s32 v2, $0x3;
	v58 =	vnsel vm10, $0x0, v1;
	v5 =	vsel vm4, v3, v57;
	[tilespmem:s12+$0x800] =	vst v4  }
0xc4: {  	vm12 =	veq.s32 v2, $0x4;
	v60 =	vnsel vm11, $0x0, v1;
	v59 =	vsel vm7, v3, v58;
	[tilespmem:s14+$0x800] =	vst v5  }
0xc5: {  	vm13 =	veq.s32 v2, $0x5;
	v61 =	vnsel vm12, $0x0, v1;
	v6 =	vsel vm5, v3, v60;
	[tilespmem:s12+$0x900] =	vst v59  }
0xc6: {  	vm14 =	veq.s32 v2, $0x6;
	v62 =	vnsel vm13, $0x0, v1;
	v5 =	vsel vm2, v3, v61;
	[tilespmem:s13+$0x800] =	vst v6  }
0xc7: {  	vm15 =	veq.s32 v2, $0x7;
	v63 =	vnsel vm14, $0x0, v1;
	v4 =	vsel vm3, v3, v62;
	[tilespmem:s12+$0xA00] =	vst v5  }
0xc8: {  	s8 =	sadd.s32 $0x1, s8;
	v1 =	vnsel vm15, $0x0, v1;
	v2 =	vsel vm0, v3, v63;
	[tilespmem:s30+$0x800] =	vst v4  }
0xc9: {  	p0 =	sne.s32 s8, s5;
	v1 =	vsel vm1, v3, v1;
	[tilespmem:s12+$0xB00] =	vst v2  }
.Ltmp1:
0xca: {  	[tilespmem:s10+$0x800] =	vst v1;
	(pc) =	sbr.rel @p0 .LBB2_1-.Ltmp1, $4  }
0xcb: {  	[hbm4b:s4+s2] =	stream.linear.scatter [tilespmem:s7], [sflag:$0x1], $0x800, $0x38;
	[tilespmem:$0x1000] =	vst v63  }
0xcc: {  	_ =	swait.ge [sflag:s6], $0x800  }
0xcd: {  	[sflag:s6] =	ssyncset.done $0x0  }
0xce: {  	[sflag:s6] =	ssyncadd.s32 $0xFFFFF800  }
0xcf: {  	_ =	sfence.sel $0x180000  }
0xd0: {  	[bflag:$0x0] =	sbarrier.arrive $0xFFFF  }
0xd1: {  	p0 =	sne.s32 s1, $0x0;
	_ =	strace $0x90000047  }
0xd2: {  	s0 =	sadd.s32 @!p0 $0x100000, s0;
	[bflag:$0x2] =	sbarrier.arrive $0xFFFF  }
0xd3: {  	[sflag:s0] =	ssyncadd.tile.s32 @!p0 $0x1;
	_ =	shalt  }
.Lfunc_end2:
_tile_overlayer_lowered:
.L_overlay_start_2:
0xd4: {  	(tag) =	ssettag $0x2  }
0xd5: {  	s0 =	rddreg [dreg:$0x0];
	s2 =	stileid.u32  }
0xd6: {  	s1 =	rddreg [dreg:$0x1];
	p0 =	sne.s32 s2, $0x0  }
0xd7: {  	s3 =	rddreg [dreg:$0x2];
	[bflag:$0x3] =	sbarrier.arrive $0xFFFF;
	s2 =	simm.s32 @!p0 $0x1C01  }
0xd8: {  	[timem:s3], [sflag:s2] =	dma.local @!p0 [hbm:s0], s1  }
0xd9: {  	s0 =	simm.s32 @!p0 $0x1  }
0xda: {  	_ =	swait.ge @!p0 [sflag:s0], s1  }
0xdb: {  	s1 =	ssub.s32 @!p0 $0x0, s1;
	[sflag:s0] =	ssyncset.done @!p0 $0x0  }
0xdc: {  	[sflag:s0] =	ssyncadd.s32 @!p0 s1  }
0xdd: {  	[bflag:$0x3] =	sbarrier.arrive $0xFFFF  }
0xde: {  	_ =	shalt  }

</sc_bundles>
